<compile_context>
chip_gen: v7x
topology: tpu7x:2x2x1
jax: 0.10.2.dev20260603
libtpu: 0.0.44.dev20260713+nightly
codegen_flags: <defaults>
</compile_context>

<pallas_src>
import functools

import jax
import jax.numpy as jnp
from jax import lax
from jax.experimental import pallas as pl
from jax.experimental.pallas import tpu as pltpu
from jax.experimental.pallas import tpu_sc as plsc

NUM_EMB = 103
EMB_DIM = 32
BATCH = 1024
SEQ = 50
MAX_PAD = 20
FEAT = MAX_PAD * EMB_DIM

NUM_CORES = 2
NUM_SUBCORES = 16
NUM_WORKERS = NUM_CORES * NUM_SUBCORES
BCOL = BATCH // NUM_WORKERS
SLAB_ITERS = MAX_PAD * (BCOL // 16)
STILE = 8
NSTILE = 6
STAIL = SEQ - NSTILE * STILE


@functools.partial(
    pl.kernel,
    out_type=jax.ShapeDtypeStruct((SEQ, BATCH, FEAT), jnp.float32),
    mesh=plsc.VectorSubcoreMesh(core_axis_name="c", subcore_axis_name="s"),
    scratch_types=[
        pltpu.VMEM((NUM_EMB * EMB_DIM,), jnp.float32),
        pltpu.VMEM((2, MAX_PAD, STILE, 128), jnp.int32),
        pltpu.VMEM((2 * BCOL, FEAT), jnp.float32),
        pltpu.SemaphoreType.DMA,
        pltpu.SemaphoreType.DMA,
        pltpu.SemaphoreType.DMA,
        pltpu.SemaphoreType.DMA,
    ],
    compiler_params=pltpu.CompilerParams(needs_layout_passes=False),
)
def _gather_rows(idx_hbm, table_hbm, out_hbm, table_v, iring, rows,
                 si0, si1, so0, so1):
    wid = lax.axis_index("s") * NUM_CORES + lax.axis_index("c")
    b0 = wid * BCOL
    bb = (wid // 4) * 128
    bq = (wid % 4) * BCOL
    si = (si0, si1)
    so = (so0, so1)

    def iblk_copy(bk, slot):
        return pltpu.make_async_copy(
            idx_hbm.at[:, pl.ds(bk * STILE, STILE), pl.ds(bb, 128)],
            iring.at[slot], si[slot])

    def itail_copy(slot):
        return pltpu.make_async_copy(
            idx_hbm.at[:, pl.ds(NSTILE * STILE, STAIL), pl.ds(bb, 128)],
            iring.at[slot].at[:, pl.ds(0, STAIL)], si[slot])

    iblk_copy(0, 0).start()
    iblk_copy(1, 1).start()
    pltpu.sync_copy(table_hbm, table_v)

    lane = lax.iota(jnp.int32, 16)
    ones_mask = lane >= 0
    offs = [(lane + c) & (EMB_DIM - 1) for c in range(EMB_DIM)]

    def fill_slab(slot, b2, s_local):
        @plsc.parallel_loop(0, SLAB_ITERS, 1, unroll=2)
        def slab_body(m):
            p = m >> 1
            bg = m & 1
            vidx = plsc.load_gather(
                iring, [jnp.full((16,), slot, jnp.int32),
                        jnp.full((16,), p, jnp.int32),
                        jnp.full((16,), s_local, jnp.int32),
                        lane + (bq + bg * 16)],
                mask=ones_mask)
            vbase = vidx * EMB_DIM
            rowv = lane + (b2 * BCOL + bg * 16)
            p32 = p * EMB_DIM
            for c in range(EMB_DIM):
                col = plsc.load_gather(table_v, [vbase + offs[c]],
                                       mask=ones_mask)
                plsc.store_scatter(rows, [rowv, offs[c] + p32], col,
                                   mask=ones_mask)

    def flush_copy(b2s, s):
        return pltpu.make_async_copy(rows.at[pl.ds(b2s * BCOL, BCOL)],
                                     out_hbm.at[s, pl.ds(b0, BCOL)], so[b2s])

    @pl.loop(0, SEQ)
    def s_loop(s):
        bk = s >> 3
        slot = lax.rem(bk, 2)
        s_local = lax.rem(s, STILE)
        b2 = lax.rem(s, 2)

        @pl.when(s_local == 0)
        def _():
            for sl in range(2):
                @pl.when(slot == sl)
                def _():
                    @pl.when(bk < NSTILE)
                    def _():
                        iblk_copy(bk, sl).wait()

                    @pl.when(bk == NSTILE)
                    def _():
                        itail_copy(sl).wait()

        @pl.when(s >= 2)
        def _():
            for b in range(2):
                @pl.when(b2 == b)
                def _():
                    flush_copy(b, s - 2).wait()

        fill_slab(slot, b2, s_local)

        for b in range(2):
            @pl.when(b2 == b)
            def _():
                flush_copy(b, s).start()

        @pl.when(s_local == STILE - 1)
        def _():
            for sl in range(2):
                @pl.when(slot == sl)
                def _():
                    @pl.when(bk + 2 < NSTILE)
                    def _():
                        iblk_copy(bk + 2, sl).start()

                    @pl.when(bk + 2 == NSTILE)
                    def _():
                        itail_copy(sl).start()

    flush_copy(0, SEQ - 2).wait()
    flush_copy(1, SEQ - 1).wait()


def kernel(indices, table):
    B, S, P = indices.shape
    idx_t = jnp.transpose(indices.astype(jnp.int32), (2, 1, 0))
    table_flat = table.astype(jnp.float32).reshape(-1)
    out = _gather_rows(idx_t, table_flat)
    return jnp.transpose(out, (1, 0, 2))

# --- scband reference (transcript-rebuilt; emitter-appended) ---
"""Pipeline reference for scband-layer-char-embeddings-29884382445581 (READ-ONLY COPY).

The authoritative reference and input builder live on the scoring server;
editing this copy changes nothing except your own understanding.
"""

import jax, jax.numpy as jnp
import numpy as np

NUM_EMB = 103  # string.printable (100) + unk + 1 extra, padding_idx=0
EMB_DIM = 32
MAX_PAD = 20
BATCH = 1024
SEQ = 50


def setup_inputs(seed: int = 0) -> dict:
    key = jax.random.key(seed)
    k1, k2 = jax.random.split(key)
    indices = jax.random.randint(k1, (BATCH, SEQ, MAX_PAD), 0, NUM_EMB)
    table = jax.random.uniform(k2, (NUM_EMB, EMB_DIM), minval=-0.5, maxval=0.5, dtype=jnp.float32)
    table = table.at[0].set(0.0)  # padding_idx=0 -> zero row
    return {"indices": indices, "table": table}


def reference(indices, table):
    # Faithful translation of LayerCharEmbeddings.forward:
    # per word: lookup MAX_PAD char embeddings, flatten to feature_dim = MAX_PAD * EMB_DIM,
    # assemble into [batch, max_seq_len, feature_dim].
    B, S, P = indices.shape
    emb = jnp.take(table, indices, axis=0)            # [B, S, P, D] gather
    feat = emb.reshape(B, S, P * table.shape[1])       # [B, S, P*D]
    return feat

if __name__ == "__main__":
    import jax
    _d = setup_inputs()
    print(jax.jit(kernel)(*tuple(_d.values())))

</pallas_src>

<mosaic_0001>
#map = affine_map<(d0, d1) -> (0, 0, 0)>
#map1 = affine_map<(d0, d1) -> (0)>
module attributes {stable_mosaic.version = 14 : i64} {
  func.func @_gather_rows(%arg0: i32, %arg1: i32, %arg2: memref<20x50x1024xi32, #tpu.memory_space<hbm>>, %arg3: memref<3296xf32, #tpu.memory_space<hbm>>, %arg4: memref<50x1024x640xf32, #tpu.memory_space<hbm>>, %arg5: memref<3296xf32, #tpu.memory_space<vmem>>, %arg6: memref<2x20x8x128xi32, #tpu.memory_space<vmem>>, %arg7: memref<64x640xf32, #tpu.memory_space<vmem>>, %arg8: memref<!tpu.dma_semaphore, #tpu.memory_space<semaphore_mem>>, %arg9: memref<!tpu.dma_semaphore, #tpu.memory_space<semaphore_mem>>, %arg10: memref<!tpu.dma_semaphore, #tpu.memory_space<semaphore_mem>>, %arg11: memref<!tpu.dma_semaphore, #tpu.memory_space<semaphore_mem>>) attributes {dimension_semantics = [#tpu.dimension_semantics<core_parallel>, #tpu.dimension_semantics<subcore_parallel>], iteration_bounds = array<i64: 2, 16>, scalar_prefetch = 0 : i64, scratch_operands = 7 : i64, tpu.core_type = #tpu.core_type<sc_vector_subcore>, window_params = [{transform_indices = #map}, {transform_indices = #map1}, {transform_indices = #map}]} {
    %mul3A = arith.constant 2 : i32
    %mul3A_0 = arith.muli %arg1, %mul3A : i32
    %add3A = arith.addi %mul3A_0, %arg0 : i32
    %mul3A_1 = arith.constant 32 : i32
    %mul3A_2 = arith.muli %add3A, %mul3A_1 : i32
    %jit3A = arith.constant 4 : i32
    %div3A = arith.divsi %add3A, %jit3A : i32
    %sign3A = arith.constant 0 : i32
    %sign3A_3 = arith.cmpi sgt, %add3A, %sign3A : i32
    %sign3A_4 = arith.extui %sign3A_3 : i1 to i32
    %sign3A_5 = arith.constant 0 : i32
    %sign3A_6 = arith.cmpi slt, %add3A, %sign3A_5 : i32
    %sign3A_7 = arith.extui %sign3A_6 : i1 to i32
    %sign3A_8 = arith.subi %sign3A_4, %sign3A_7 : i32
    %sign3A_9 = arith.constant 0 : i32
    %sign3A_10 = arith.cmpi sgt, %jit3A, %sign3A_9 : i32
    %sign3A_11 = arith.extui %sign3A_10 : i1 to i32
    %sign3A_12 = arith.constant 0 : i32
    %sign3A_13 = arith.cmpi slt, %jit3A, %sign3A_12 : i32
    %sign3A_14 = arith.extui %sign3A_13 : i1 to i32
    %sign3A_15 = arith.subi %sign3A_11, %sign3A_14 : i32
    %ne3A = arith.cmpi ne, %sign3A_8, %sign3A_15 : i32
    %rem3A = arith.remsi %add3A, %jit3A : i32
    %ne3A_16 = arith.constant 0 : i32
    %ne3A_17 = arith.cmpi ne, %rem3A, %ne3A_16 : i32
    %and3A = arith.andi %ne3A, %ne3A_17 : i1
    %sub3A = arith.constant 1 : i32
    %sub3A_18 = arith.subi %div3A, %sub3A : i32
    %select_n3A = arith.select %and3A, %sub3A_18, %div3A : i32
    %mul3A_19 = arith.constant 128 : i32
    %mul3A_20 = arith.muli %select_n3A, %mul3A_19 : i32
    %jit3A_21 = arith.constant 4 : i32
    %eq3A = arith.constant 0 : i32
    %eq3A_22 = arith.cmpi eq, %jit3A_21, %eq3A : i32
    %jit3A_23 = arith.constant 1 : i32
    %select_n3A_24 = arith.select %eq3A_22, %jit3A_23, %jit3A_21 : i32
    %rem3A_25 = arith.remsi %add3A, %select_n3A_24 : i32
    %ne3A_26 = arith.constant 0 : i32
    %ne3A_27 = arith.cmpi ne, %rem3A_25, %ne3A_26 : i32
    %lt3A = arith.constant 0 : i32
    %lt3A_28 = arith.cmpi slt, %rem3A_25, %lt3A : i32
    %lt3A_29 = arith.constant 0 : i32
    %lt3A_30 = arith.cmpi slt, %select_n3A_24, %lt3A_29 : i32
    %ne3A_31 = arith.xori %lt3A_28, %lt3A_30 : i1
    %and3A_32 = arith.andi %ne3A_31, %ne3A_27 : i1
    %add3A_33 = arith.addi %rem3A_25, %select_n3A_24 : i32
    %select_n3A_34 = arith.select %and3A_32, %add3A_33, %rem3A_25 : i32
    %mul3A_35 = arith.constant 32 : i32
    %mul3A_36 = arith.muli %select_n3A_34, %mul3A_35 : i32
    %dma_start3A = arith.constant 0 : i32
    %dma_start3A_37 = arith.constant 0 : i32
    %dma_start3A_38 = arith.constant 0 : i32
    %dma_start3A_39 = arith.constant 0 : i32
    %dma_start3A_40 = tpu.memref_slice %arg6[%dma_start3A, %dma_start3A_37, %dma_start3A_38, %dma_start3A_39] : memref<2x20x8x128xi32, #tpu.memory_space<vmem>> -> memref<1x20x8x128xi32, #tpu.memory_space<vmem>>
    %dma_start3A_41 = tpu.memref_squeeze %dma_start3A_40 : memref<1x20x8x128xi32, #tpu.memory_space<vmem>> -> memref<20x8x128xi32, #tpu.memory_space<vmem>>
    %dma_start3A_42 = arith.constant 0 : i32
    %dma_start3A_43 = arith.constant 0 : i32
    %dma_start3A_44 = tpu.memref_slice %arg2[%dma_start3A_42, %dma_start3A_43, %mul3A_20] : memref<20x50x1024xi32, #tpu.memory_space<hbm>> -> memref<20x8x128xi32, #tpu.memory_space<hbm>>
    %dma_start3A_45 = arith.constant 0 : i32
    %dma_start3A_46 = arith.constant 0 : i32
    %dma_start3A_47 = arith.constant 0 : i32
    %dma_start3A_48 = tpu.memref_slice %arg6[%dma_start3A, %dma_start3A_45, %dma_start3A_46, %dma_start3A_47] : memref<2x20x8x128xi32, #tpu.memory_space<vmem>> -> memref<1x20x8x128xi32, #tpu.memory_space<vmem>>
    %dma_start3A_49 = tpu.memref_squeeze %dma_start3A_48 : memref<1x20x8x128xi32, #tpu.memory_space<vmem>> -> memref<20x8x128xi32, #tpu.memory_space<vmem>>
    %dma_start3A_50 = arith.constant 0 : i32
    %dma_start3A_51 = arith.constant 0 : i32
    %dma_start3A_52 = tpu.memref_slice %arg2[%dma_start3A_50, %dma_start3A_51, %mul3A_20] : memref<20x50x1024xi32, #tpu.memory_space<hbm>> -> memref<20x8x128xi32, #tpu.memory_space<hbm>>
    tpu.enqueue_dma source(%dma_start3A_52 : memref<20x8x128xi32, #tpu.memory_space<hbm>>) target(%dma_start3A_49 : memref<20x8x128xi32, #tpu.memory_space<vmem>>) target_semaphore(%arg8 : memref<!tpu.dma_semaphore, #tpu.memory_space<semaphore_mem>>)
    %dma_start3A_53 = arith.constant 1 : i32
    %dma_start3A_54 = arith.constant 0 : i32
    %dma_start3A_55 = arith.constant 0 : i32
    %dma_start3A_56 = arith.constant 0 : i32
    %dma_start3A_57 = tpu.memref_slice %arg6[%dma_start3A_53, %dma_start3A_54, %dma_start3A_55, %dma_start3A_56] : memref<2x20x8x128xi32, #tpu.memory_space<vmem>> -> memref<1x20x8x128xi32, #tpu.memory_space<vmem>>
    %dma_start3A_58 = tpu.memref_squeeze %dma_start3A_57 : memref<1x20x8x128xi32, #tpu.memory_space<vmem>> -> memref<20x8x128xi32, #tpu.memory_space<vmem>>
    %dma_start3A_59 = arith.constant 0 : i32
    %dma_start3A_60 = arith.constant 8 : i32
    %dma_start3A_61 = tpu.memref_slice %arg2[%dma_start3A_59, %dma_start3A_60, %mul3A_20] : memref<20x50x1024xi32, #tpu.memory_space<hbm>> -> memref<20x8x128xi32, #tpu.memory_space<hbm>>
    %dma_start3A_62 = arith.constant 0 : i32
    %dma_start3A_63 = arith.constant 0 : i32
    %dma_start3A_64 = arith.constant 0 : i32
    %dma_start3A_65 = tpu.memref_slice %arg6[%dma_start3A_53, %dma_start3A_62, %dma_start3A_63, %dma_start3A_64] : memref<2x20x8x128xi32, #tpu.memory_space<vmem>> -> memref<1x20x8x128xi32, #tpu.memory_space<vmem>>
    %dma_start3A_66 = tpu.memref_squeeze %dma_start3A_65 : memref<1x20x8x128xi32, #tpu.memory_space<vmem>> -> memref<20x8x128xi32, #tpu.memory_space<vmem>>
    %dma_start3A_67 = arith.constant 0 : i32
    %dma_start3A_68 = arith.constant 8 : i32
    %dma_start3A_69 = tpu.memref_slice %arg2[%dma_start3A_67, %dma_start3A_68, %mul3A_20] : memref<20x50x1024xi32, #tpu.memory_space<hbm>> -> memref<20x8x128xi32, #tpu.memory_space<hbm>>
    tpu.enqueue_dma source(%dma_start3A_69 : memref<20x8x128xi32, #tpu.memory_space<hbm>>) target(%dma_start3A_66 : memref<20x8x128xi32, #tpu.memory_space<vmem>>) target_semaphore(%arg9 : memref<!tpu.dma_semaphore, #tpu.memory_space<semaphore_mem>>)
    "tpu.region"() ({
      %run_scoped3A = tpu.sem_alloc : memref<!tpu.dma_semaphore, #tpu.memory_space<semaphore_mem>>
      tpu.enqueue_dma source(%arg3 : memref<3296xf32, #tpu.memory_space<hbm>>) target(%arg5 : memref<3296xf32, #tpu.memory_space<vmem>>) target_semaphore(%run_scoped3A : memref<!tpu.dma_semaphore, #tpu.memory_space<semaphore_mem>>)
      tpu.wait_dma2 semaphore(%run_scoped3A : memref<!tpu.dma_semaphore, #tpu.memory_space<semaphore_mem>>) src(%arg3 : memref<3296xf32, #tpu.memory_space<hbm>>) dst(%arg5 : memref<3296xf32, #tpu.memory_space<vmem>>)
      tpu.yield
    }) : () -> ()
    %iota3A = tpu.iota {dimensions = array<i32: 0>} : vector<16xi32>
    %ge3A = arith.constant 0 : i32
    %ge3A_70 = vector.broadcast %ge3A : i32 to vector<16xi32>
    %ge3A_71 = arith.cmpi sge, %iota3A, %ge3A_70 : vector<16xi32>
    %add3A_72 = arith.constant 0 : i32
    %add3A_73 = vector.broadcast %add3A_72 : i32 to vector<16xi32>
    %add3A_74 = arith.addi %iota3A, %add3A_73 : vector<16xi32>
    %and3A_75 = arith.constant 31 : i32
    %and3A_76 = vector.broadcast %and3A_75 : i32 to vector<16xi32>
    %and3A_77 = arith.andi %add3A_74, %and3A_76 : vector<16xi32>
    %add3A_78 = arith.constant 1 : i32
    %add3A_79 = vector.broadcast %add3A_78 : i32 to vector<16xi32>
    %add3A_80 = arith.addi %iota3A, %add3A_79 : vector<16xi32>
    %and3A_81 = arith.constant 31 : i32
    %and3A_82 = vector.broadcast %and3A_81 : i32 to vector<16xi32>
    %and3A_83 = arith.andi %add3A_80, %and3A_82 : vector<16xi32>
    %add3A_84 = arith.constant 2 : i32
    %add3A_85 = vector.broadcast %add3A_84 : i32 to vector<16xi32>
    %add3A_86 = arith.addi %iota3A, %add3A_85 : vector<16xi32>
    %and3A_87 = arith.constant 31 : i32
    %and3A_88 = vector.broadcast %and3A_87 : i32 to vector<16xi32>
    %and3A_89 = arith.andi %add3A_86, %and3A_88 : vector<16xi32>
    %add3A_90 = arith.constant 3 : i32
    %add3A_91 = vector.broadcast %add3A_90 : i32 to vector<16xi32>
    %add3A_92 = arith.addi %iota3A, %add3A_91 : vector<16xi32>
    %and3A_93 = arith.constant 31 : i32
    %and3A_94 = vector.broadcast %and3A_93 : i32 to vector<16xi32>
    %and3A_95 = arith.andi %add3A_92, %and3A_94 : vector<16xi32>
    %add3A_96 = arith.constant 4 : i32
    %add3A_97 = vector.broadcast %add3A_96 : i32 to vector<16xi32>
    %add3A_98 = arith.addi %iota3A, %add3A_97 : vector<16xi32>
    %and3A_99 = arith.constant 31 : i32
    %and3A_100 = vector.broadcast %and3A_99 : i32 to vector<16xi32>
    %and3A_101 = arith.andi %add3A_98, %and3A_100 : vector<16xi32>
    %add3A_102 = arith.constant 5 : i32
    %add3A_103 = vector.broadcast %add3A_102 : i32 to vector<16xi32>
    %add3A_104 = arith.addi %iota3A, %add3A_103 : vector<16xi32>
    %and3A_105 = arith.constant 31 : i32
    %and3A_106 = vector.broadcast %and3A_105 : i32 to vector<16xi32>
    %and3A_107 = arith.andi %add3A_104, %and3A_106 : vector<16xi32>
    %add3A_108 = arith.constant 6 : i32
    %add3A_109 = vector.broadcast %add3A_108 : i32 to vector<16xi32>
    %add3A_110 = arith.addi %iota3A, %add3A_109 : vector<16xi32>
    %and3A_111 = arith.constant 31 : i32
    %and3A_112 = vector.broadcast %and3A_111 : i32 to vector<16xi32>
    %and3A_113 = arith.andi %add3A_110, %and3A_112 : vector<16xi32>
    %add3A_114 = arith.constant 7 : i32
    %add3A_115 = vector.broadcast %add3A_114 : i32 to vector<16xi32>
    %add3A_116 = arith.addi %iota3A, %add3A_115 : vector<16xi32>
    %and3A_117 = arith.constant 31 : i32
    %and3A_118 = vector.broadcast %and3A_117 : i32 to vector<16xi32>
    %and3A_119 = arith.andi %add3A_116, %and3A_118 : vector<16xi32>
    %add3A_120 = arith.constant 8 : i32
    %add3A_121 = vector.broadcast %add3A_120 : i32 to vector<16xi32>
    %add3A_122 = arith.addi %iota3A, %add3A_121 : vector<16xi32>
    %and3A_123 = arith.constant 31 : i32
    %and3A_124 = vector.broadcast %and3A_123 : i32 to vector<16xi32>
    %and3A_125 = arith.andi %add3A_122, %and3A_124 : vector<16xi32>
    %add3A_126 = arith.constant 9 : i32
    %add3A_127 = vector.broadcast %add3A_126 : i32 to vector<16xi32>
    %add3A_128 = arith.addi %iota3A, %add3A_127 : vector<16xi32>
    %and3A_129 = arith.constant 31 : i32
    %and3A_130 = vector.broadcast %and3A_129 : i32 to vector<16xi32>
    %and3A_131 = arith.andi %add3A_128, %and3A_130 : vector<16xi32>
    %add3A_132 = arith.constant 10 : i32
    %add3A_133 = vector.broadcast %add3A_132 : i32 to vector<16xi32>
    %add3A_134 = arith.addi %iota3A, %add3A_133 : vector<16xi32>
    %and3A_135 = arith.constant 31 : i32
    %and3A_136 = vector.broadcast %and3A_135 : i32 to vector<16xi32>
    %and3A_137 = arith.andi %add3A_134, %and3A_136 : vector<16xi32>
    %add3A_138 = arith.constant 11 : i32
    %add3A_139 = vector.broadcast %add3A_138 : i32 to vector<16xi32>
    %add3A_140 = arith.addi %iota3A, %add3A_139 : vector<16xi32>
    %and3A_141 = arith.constant 31 : i32
    %and3A_142 = vector.broadcast %and3A_141 : i32 to vector<16xi32>
    %and3A_143 = arith.andi %add3A_140, %and3A_142 : vector<16xi32>
    %add3A_144 = arith.constant 12 : i32
    %add3A_145 = vector.broadcast %add3A_144 : i32 to vector<16xi32>
    %add3A_146 = arith.addi %iota3A, %add3A_145 : vector<16xi32>
    %and3A_147 = arith.constant 31 : i32
    %and3A_148 = vector.broadcast %and3A_147 : i32 to vector<16xi32>
    %and3A_149 = arith.andi %add3A_146, %and3A_148 : vector<16xi32>
    %add3A_150 = arith.constant 13 : i32
    %add3A_151 = vector.broadcast %add3A_150 : i32 to vector<16xi32>
    %add3A_152 = arith.addi %iota3A, %add3A_151 : vector<16xi32>
    %and3A_153 = arith.constant 31 : i32
    %and3A_154 = vector.broadcast %and3A_153 : i32 to vector<16xi32>
    %and3A_155 = arith.andi %add3A_152, %and3A_154 : vector<16xi32>
    %add3A_156 = arith.constant 14 : i32
    %add3A_157 = vector.broadcast %add3A_156 : i32 to vector<16xi32>
    %add3A_158 = arith.addi %iota3A, %add3A_157 : vector<16xi32>
    %and3A_159 = arith.constant 31 : i32
    %and3A_160 = vector.broadcast %and3A_159 : i32 to vector<16xi32>
    %and3A_161 = arith.andi %add3A_158, %and3A_160 : vector<16xi32>
    %add3A_162 = arith.constant 15 : i32
    %add3A_163 = vector.broadcast %add3A_162 : i32 to vector<16xi32>
    %add3A_164 = arith.addi %iota3A, %add3A_163 : vector<16xi32>
    %and3A_165 = arith.constant 31 : i32
    %and3A_166 = vector.broadcast %and3A_165 : i32 to vector<16xi32>
    %and3A_167 = arith.andi %add3A_164, %and3A_166 : vector<16xi32>
    %add3A_168 = arith.constant 16 : i32
    %add3A_169 = vector.broadcast %add3A_168 : i32 to vector<16xi32>
    %add3A_170 = arith.addi %iota3A, %add3A_169 : vector<16xi32>
    %and3A_171 = arith.constant 31 : i32
    %and3A_172 = vector.broadcast %and3A_171 : i32 to vector<16xi32>
    %and3A_173 = arith.andi %add3A_170, %and3A_172 : vector<16xi32>
    %add3A_174 = arith.constant 17 : i32
    %add3A_175 = vector.broadcast %add3A_174 : i32 to vector<16xi32>
    %add3A_176 = arith.addi %iota3A, %add3A_175 : vector<16xi32>
    %and3A_177 = arith.constant 31 : i32
    %and3A_178 = vector.broadcast %and3A_177 : i32 to vector<16xi32>
    %and3A_179 = arith.andi %add3A_176, %and3A_178 : vector<16xi32>
    %add3A_180 = arith.constant 18 : i32
    %add3A_181 = vector.broadcast %add3A_180 : i32 to vector<16xi32>
    %add3A_182 = arith.addi %iota3A, %add3A_181 : vector<16xi32>
    %and3A_183 = arith.constant 31 : i32
    %and3A_184 = vector.broadcast %and3A_183 : i32 to vector<16xi32>
    %and3A_185 = arith.andi %add3A_182, %and3A_184 : vector<16xi32>
    %add3A_186 = arith.constant 19 : i32
    %add3A_187 = vector.broadcast %add3A_186 : i32 to vector<16xi32>
    %add3A_188 = arith.addi %iota3A, %add3A_187 : vector<16xi32>
    %and3A_189 = arith.constant 31 : i32
    %and3A_190 = vector.broadcast %and3A_189 : i32 to vector<16xi32>
    %and3A_191 = arith.andi %add3A_188, %and3A_190 : vector<16xi32>
    %add3A_192 = arith.constant 20 : i32
    %add3A_193 = vector.broadcast %add3A_192 : i32 to vector<16xi32>
    %add3A_194 = arith.addi %iota3A, %add3A_193 : vector<16xi32>
    %and3A_195 = arith.constant 31 : i32
    %and3A_196 = vector.broadcast %and3A_195 : i32 to vector<16xi32>
    %and3A_197 = arith.andi %add3A_194, %and3A_196 : vector<16xi32>
    %add3A_198 = arith.constant 21 : i32
    %add3A_199 = vector.broadcast %add3A_198 : i32 to vector<16xi32>
    %add3A_200 = arith.addi %iota3A, %add3A_199 : vector<16xi32>
    %and3A_201 = arith.constant 31 : i32
    %and3A_202 = vector.broadcast %and3A_201 : i32 to vector<16xi32>
    %and3A_203 = arith.andi %add3A_200, %and3A_202 : vector<16xi32>
    %add3A_204 = arith.constant 22 : i32
    %add3A_205 = vector.broadcast %add3A_204 : i32 to vector<16xi32>
    %add3A_206 = arith.addi %iota3A, %add3A_205 : vector<16xi32>
    %and3A_207 = arith.constant 31 : i32
    %and3A_208 = vector.broadcast %and3A_207 : i32 to vector<16xi32>
    %and3A_209 = arith.andi %add3A_206, %and3A_208 : vector<16xi32>
    %add3A_210 = arith.constant 23 : i32
    %add3A_211 = vector.broadcast %add3A_210 : i32 to vector<16xi32>
    %add3A_212 = arith.addi %iota3A, %add3A_211 : vector<16xi32>
    %and3A_213 = arith.constant 31 : i32
    %and3A_214 = vector.broadcast %and3A_213 : i32 to vector<16xi32>
    %and3A_215 = arith.andi %add3A_212, %and3A_214 : vector<16xi32>
    %add3A_216 = arith.constant 24 : i32
    %add3A_217 = vector.broadcast %add3A_216 : i32 to vector<16xi32>
    %add3A_218 = arith.addi %iota3A, %add3A_217 : vector<16xi32>
    %and3A_219 = arith.constant 31 : i32
    %and3A_220 = vector.broadcast %and3A_219 : i32 to vector<16xi32>
    %and3A_221 = arith.andi %add3A_218, %and3A_220 : vector<16xi32>
    %add3A_222 = arith.constant 25 : i32
    %add3A_223 = vector.broadcast %add3A_222 : i32 to vector<16xi32>
    %add3A_224 = arith.addi %iota3A, %add3A_223 : vector<16xi32>
    %and3A_225 = arith.constant 31 : i32
    %and3A_226 = vector.broadcast %and3A_225 : i32 to vector<16xi32>
    %and3A_227 = arith.andi %add3A_224, %and3A_226 : vector<16xi32>
    %add3A_228 = arith.constant 26 : i32
    %add3A_229 = vector.broadcast %add3A_228 : i32 to vector<16xi32>
    %add3A_230 = arith.addi %iota3A, %add3A_229 : vector<16xi32>
    %and3A_231 = arith.constant 31 : i32
    %and3A_232 = vector.broadcast %and3A_231 : i32 to vector<16xi32>
    %and3A_233 = arith.andi %add3A_230, %and3A_232 : vector<16xi32>
    %add3A_234 = arith.constant 27 : i32
    %add3A_235 = vector.broadcast %add3A_234 : i32 to vector<16xi32>
    %add3A_236 = arith.addi %iota3A, %add3A_235 : vector<16xi32>
    %and3A_237 = arith.constant 31 : i32
    %and3A_238 = vector.broadcast %and3A_237 : i32 to vector<16xi32>
    %and3A_239 = arith.andi %add3A_236, %and3A_238 : vector<16xi32>
    %add3A_240 = arith.constant 28 : i32
    %add3A_241 = vector.broadcast %add3A_240 : i32 to vector<16xi32>
    %add3A_242 = arith.addi %iota3A, %add3A_241 : vector<16xi32>
    %and3A_243 = arith.constant 31 : i32
    %and3A_244 = vector.broadcast %and3A_243 : i32 to vector<16xi32>
    %and3A_245 = arith.andi %add3A_242, %and3A_244 : vector<16xi32>
    %add3A_246 = arith.constant 29 : i32
    %add3A_247 = vector.broadcast %add3A_246 : i32 to vector<16xi32>
    %add3A_248 = arith.addi %iota3A, %add3A_247 : vector<16xi32>
    %and3A_249 = arith.constant 31 : i32
    %and3A_250 = vector.broadcast %and3A_249 : i32 to vector<16xi32>
    %and3A_251 = arith.andi %add3A_248, %and3A_250 : vector<16xi32>
    %add3A_252 = arith.constant 30 : i32
    %add3A_253 = vector.broadcast %add3A_252 : i32 to vector<16xi32>
    %add3A_254 = arith.addi %iota3A, %add3A_253 : vector<16xi32>
    %and3A_255 = arith.constant 31 : i32
    %and3A_256 = vector.broadcast %and3A_255 : i32 to vector<16xi32>
    %and3A_257 = arith.andi %add3A_254, %and3A_256 : vector<16xi32>
    %add3A_258 = arith.constant 31 : i32
    %add3A_259 = vector.broadcast %add3A_258 : i32 to vector<16xi32>
    %add3A_260 = arith.addi %iota3A, %add3A_259 : vector<16xi32>
    %and3A_261 = arith.constant 31 : i32
    %and3A_262 = vector.broadcast %and3A_261 : i32 to vector<16xi32>
    %and3A_263 = arith.andi %add3A_260, %and3A_262 : vector<16xi32>
    %scan3A = arith.constant 0 : i32
    %scan3A_264 = arith.constant 50 : i32
    %scan3A_265 = arith.addi %scan3A, %scan3A_264 : i32
    %scan3A_266 = arith.constant 1 : i32
    scf.for %scan3A_293 = %scan3A to %scan3A_265 step %scan3A_266  : i32 {
      %mul3A_294 = arith.constant 1 : i32
      %mul3A_295 = arith.muli %scan3A_293, %mul3A_294 : i32
      %add3A_296 = arith.constant 0 : i32
      %add3A_297 = arith.addi %add3A_296, %mul3A_295 : i32
      %shift_right_arithmetic3A = arith.constant 3 : i32
      %shift_right_arithmetic3A_298 = arith.shrsi %add3A_297, %shift_right_arithmetic3A : i32
      %rem3A_299 = arith.constant 2 : i32
      %rem3A_300 = arith.remsi %shift_right_arithmetic3A_298, %rem3A_299 : i32
      %rem3A_301 = arith.constant 8 : i32
      %rem3A_302 = arith.remsi %add3A_297, %rem3A_301 : i32
      %rem3A_303 = arith.constant 2 : i32
      %rem3A_304 = arith.remsi %add3A_297, %rem3A_303 : i32
      %eq3A_305 = arith.constant 0 : i32
      %eq3A_306 = arith.cmpi eq, %rem3A_302, %eq3A_305 : i32
      %convert_element_type3A = arith.extui %eq3A_306 : i1 to i32
      %cond3A = arith.constant 0 : i32
      %cond3A_307 = arith.cmpi ne, %convert_element_type3A, %cond3A : i32
      scf.if %cond3A_307 {
        %eq3A_330 = arith.constant 0 : i32
        %eq3A_331 = arith.cmpi eq, %rem3A_300, %eq3A_330 : i32
        %convert_element_type3A_332 = arith.extui %eq3A_331 : i1 to i32
        %cond3A_333 = arith.constant 0 : i32
        %cond3A_334 = arith.cmpi ne, %convert_element_type3A_332, %cond3A_333 : i32
        scf.if %cond3A_334 {
          %lt3A_340 = arith.constant 6 : i32
          %lt3A_341 = arith.cmpi slt, %shift_right_arithmetic3A_298, %lt3A_340 : i32
          %convert_element_type3A_342 = arith.extui %lt3A_341 : i1 to i32
          %cond3A_343 = arith.constant 0 : i32
          %cond3A_344 = arith.cmpi ne, %convert_element_type3A_342, %cond3A_343 : i32
          scf.if %cond3A_344 {
            %mul3A_350 = arith.constant 8 : i32
            %mul3A_351 = arith.muli %shift_right_arithmetic3A_298, %mul3A_350 : i32
            %dma_wait3A_352 = arith.constant 0 : i32
            %dma_wait3A_353 = arith.constant 0 : i32
            %dma_wait3A_354 = arith.constant 0 : i32
            %dma_wait3A_355 = arith.constant 0 : i32
            %dma_wait3A_356 = tpu.memref_slice %arg6[%dma_wait3A_352, %dma_wait3A_353, %dma_wait3A_354, %dma_wait3A_355] : memref<2x20x8x128xi32, #tpu.memory_space<vmem>> -> memref<1x20x8x128xi32, #tpu.memory_space<vmem>>
            %dma_wait3A_357 = tpu.memref_squeeze %dma_wait3A_356 : memref<1x20x8x128xi32, #tpu.memory_space<vmem>> -> memref<20x8x128xi32, #tpu.memory_space<vmem>>
            %dma_wait3A_358 = arith.constant 0 : i32
            %dma_wait3A_359 = tpu.memref_slice %arg2[%dma_wait3A_358, %mul3A_351, %mul3A_20] : memref<20x50x1024xi32, #tpu.memory_space<hbm>> -> memref<20x8x128xi32, #tpu.memory_space<hbm>>
            %dma_wait3A_360 = arith.constant 0 : i32
            %dma_wait3A_361 = arith.constant 0 : i32
            %dma_wait3A_362 = arith.constant 0 : i32
            %dma_wait3A_363 = tpu.memref_slice %arg6[%dma_wait3A_352, %dma_wait3A_360, %dma_wait3A_361, %dma_wait3A_362] : memref<2x20x8x128xi32, #tpu.memory_space<vmem>> -> memref<1x20x8x128xi32, #tpu.memory_space<vmem>>
            %dma_wait3A_364 = tpu.memref_squeeze %dma_wait3A_363 : memref<1x20x8x128xi32, #tpu.memory_space<vmem>> -> memref<20x8x128xi32, #tpu.memory_space<vmem>>
            %dma_wait3A_365 = arith.constant 0 : i32
            %dma_wait3A_366 = tpu.memref_slice %arg2[%dma_wait3A_365, %mul3A_351, %mul3A_20] : memref<20x50x1024xi32, #tpu.memory_space<hbm>> -> memref<20x8x128xi32, #tpu.memory_space<hbm>>
            tpu.wait_dma2 semaphore(%arg8 : memref<!tpu.dma_semaphore, #tpu.memory_space<semaphore_mem>>) src(%dma_wait3A_366 : memref<20x8x128xi32, #tpu.memory_space<hbm>>) dst(%dma_wait3A_364 : memref<20x8x128xi32, #tpu.memory_space<vmem>>)
          } else {
          }
          %eq3A_345 = arith.constant 6 : i32
          %eq3A_346 = arith.cmpi eq, %shift_right_arithmetic3A_298, %eq3A_345 : i32
          %convert_element_type3A_347 = arith.extui %eq3A_346 : i1 to i32
          %cond3A_348 = arith.constant 0 : i32
          %cond3A_349 = arith.cmpi ne, %convert_element_type3A_347, %cond3A_348 : i32
          scf.if %cond3A_349 {
            %dma_wait3A_350 = arith.constant 0 : i32
            %dma_wait3A_351 = arith.constant 0 : i32
            %dma_wait3A_352 = arith.constant 0 : i32
            %dma_wait3A_353 = arith.constant 0 : i32
            %dma_wait3A_354 = tpu.memref_slice %arg6[%dma_wait3A_350, %dma_wait3A_351, %dma_wait3A_352, %dma_wait3A_353] : memref<2x20x8x128xi32, #tpu.memory_space<vmem>> -> memref<1x20x8x128xi32, #tpu.memory_space<vmem>>
            %dma_wait3A_355 = tpu.memref_squeeze %dma_wait3A_354 : memref<1x20x8x128xi32, #tpu.memory_space<vmem>> -> memref<20x8x128xi32, #tpu.memory_space<vmem>>
            %dma_wait3A_356 = arith.constant 0 : i32
            %dma_wait3A_357 = arith.constant 0 : i32
            %dma_wait3A_358 = arith.constant 0 : i32
            %dma_wait3A_359 = tpu.memref_slice %dma_wait3A_355[%dma_wait3A_356, %dma_wait3A_357, %dma_wait3A_358] : memref<20x8x128xi32, #tpu.memory_space<vmem>> -> memref<20x2x128xi32, #tpu.memory_space<vmem>>
            %dma_wait3A_360 = arith.constant 0 : i32
            %dma_wait3A_361 = arith.constant 48 : i32
            %dma_wait3A_362 = tpu.memref_slice %arg2[%dma_wait3A_360, %dma_wait3A_361, %mul3A_20] : memref<20x50x1024xi32, #tpu.memory_space<hbm>> -> memref<20x2x128xi32, #tpu.memory_space<hbm>>
            %dma_wait3A_363 = arith.constant 0 : i32
            %dma_wait3A_364 = arith.constant 0 : i32
            %dma_wait3A_365 = arith.constant 0 : i32
            %dma_wait3A_366 = tpu.memref_slice %arg6[%dma_wait3A_350, %dma_wait3A_363, %dma_wait3A_364, %dma_wait3A_365] : memref<2x20x8x128xi32, #tpu.memory_space<vmem>> -> memref<1x20x8x128xi32, #tpu.memory_space<vmem>>
            %dma_wait3A_367 = tpu.memref_squeeze %dma_wait3A_366 : memref<1x20x8x128xi32, #tpu.memory_space<vmem>> -> memref<20x8x128xi32, #tpu.memory_space<vmem>>
            %dma_wait3A_368 = arith.constant 0 : i32
            %dma_wait3A_369 = arith.constant 0 : i32
            %dma_wait3A_370 = arith.constant 0 : i32
            %dma_wait3A_371 = tpu.memref_slice %dma_wait3A_367[%dma_wait3A_368, %dma_wait3A_369, %dma_wait3A_370] : memref<20x8x128xi32, #tpu.memory_space<vmem>> -> memref<20x2x128xi32, #tpu.memory_space<vmem>>
            %dma_wait3A_372 = arith.constant 0 : i32
            %dma_wait3A_373 = arith.constant 48 : i32
            %dma_wait3A_374 = tpu.memref_slice %arg2[%dma_wait3A_372, %dma_wait3A_373, %mul3A_20] : memref<20x50x1024xi32, #tpu.memory_space<hbm>> -> memref<20x2x128xi32, #tpu.memory_space<hbm>>
            tpu.wait_dma2 semaphore(%arg8 : memref<!tpu.dma_semaphore, #tpu.memory_space<semaphore_mem>>) src(%dma_wait3A_374 : memref<20x2x128xi32, #tpu.memory_space<hbm>>) dst(%dma_wait3A_371 : memref<20x2x128xi32, #tpu.memory_space<vmem>>)
          } else {
          }
        } else {
        }
        %eq3A_335 = arith.constant 1 : i32
        %eq3A_336 = arith.cmpi eq, %rem3A_300, %eq3A_335 : i32
        %convert_element_type3A_337 = arith.extui %eq3A_336 : i1 to i32
        %cond3A_338 = arith.constant 0 : i32
        %cond3A_339 = arith.cmpi ne, %convert_element_type3A_337, %cond3A_338 : i32
        scf.if %cond3A_339 {
          %lt3A_340 = arith.constant 6 : i32
          %lt3A_341 = arith.cmpi slt, %shift_right_arithmetic3A_298, %lt3A_340 : i32
          %convert_element_type3A_342 = arith.extui %lt3A_341 : i1 to i32
          %cond3A_343 = arith.constant 0 : i32
          %cond3A_344 = arith.cmpi ne, %convert_element_type3A_342, %cond3A_343 : i32
          scf.if %cond3A_344 {
            %mul3A_350 = arith.constant 8 : i32
            %mul3A_351 = arith.muli %shift_right_arithmetic3A_298, %mul3A_350 : i32
            %dma_wait3A_352 = arith.constant 1 : i32
            %dma_wait3A_353 = arith.constant 0 : i32
            %dma_wait3A_354 = arith.constant 0 : i32
            %dma_wait3A_355 = arith.constant 0 : i32
            %dma_wait3A_356 = tpu.memref_slice %arg6[%dma_wait3A_352, %dma_wait3A_353, %dma_wait3A_354, %dma_wait3A_355] : memref<2x20x8x128xi32, #tpu.memory_space<vmem>> -> memref<1x20x8x128xi32, #tpu.memory_space<vmem>>
            %dma_wait3A_357 = tpu.memref_squeeze %dma_wait3A_356 : memref<1x20x8x128xi32, #tpu.memory_space<vmem>> -> memref<20x8x128xi32, #tpu.memory_space<vmem>>
            %dma_wait3A_358 = arith.constant 0 : i32
            %dma_wait3A_359 = tpu.memref_slice %arg2[%dma_wait3A_358, %mul3A_351, %mul3A_20] : memref<20x50x1024xi32, #tpu.memory_space<hbm>> -> memref<20x8x128xi32, #tpu.memory_space<hbm>>
            %dma_wait3A_360 = arith.constant 0 : i32
            %dma_wait3A_361 = arith.constant 0 : i32
            %dma_wait3A_362 = arith.constant 0 : i32
            %dma_wait3A_363 = tpu.memref_slice %arg6[%dma_wait3A_352, %dma_wait3A_360, %dma_wait3A_361, %dma_wait3A_362] : memref<2x20x8x128xi32, #tpu.memory_space<vmem>> -> memref<1x20x8x128xi32, #tpu.memory_space<vmem>>
            %dma_wait3A_364 = tpu.memref_squeeze %dma_wait3A_363 : memref<1x20x8x128xi32, #tpu.memory_space<vmem>> -> memref<20x8x128xi32, #tpu.memory_space<vmem>>
            %dma_wait3A_365 = arith.constant 0 : i32
            %dma_wait3A_366 = tpu.memref_slice %arg2[%dma_wait3A_365, %mul3A_351, %mul3A_20] : memref<20x50x1024xi32, #tpu.memory_space<hbm>> -> memref<20x8x128xi32, #tpu.memory_space<hbm>>
            tpu.wait_dma2 semaphore(%arg9 : memref<!tpu.dma_semaphore, #tpu.memory_space<semaphore_mem>>) src(%dma_wait3A_366 : memref<20x8x128xi32, #tpu.memory_space<hbm>>) dst(%dma_wait3A_364 : memref<20x8x128xi32, #tpu.memory_space<vmem>>)
          } else {
          }
          %eq3A_345 = arith.constant 6 : i32
          %eq3A_346 = arith.cmpi eq, %shift_right_arithmetic3A_298, %eq3A_345 : i32
          %convert_element_type3A_347 = arith.extui %eq3A_346 : i1 to i32
          %cond3A_348 = arith.constant 0 : i32
          %cond3A_349 = arith.cmpi ne, %convert_element_type3A_347, %cond3A_348 : i32
          scf.if %cond3A_349 {
            %dma_wait3A_350 = arith.constant 1 : i32
            %dma_wait3A_351 = arith.constant 0 : i32
            %dma_wait3A_352 = arith.constant 0 : i32
            %dma_wait3A_353 = arith.constant 0 : i32
            %dma_wait3A_354 = tpu.memref_slice %arg6[%dma_wait3A_350, %dma_wait3A_351, %dma_wait3A_352, %dma_wait3A_353] : memref<2x20x8x128xi32, #tpu.memory_space<vmem>> -> memref<1x20x8x128xi32, #tpu.memory_space<vmem>>
            %dma_wait3A_355 = tpu.memref_squeeze %dma_wait3A_354 : memref<1x20x8x128xi32, #tpu.memory_space<vmem>> -> memref<20x8x128xi32, #tpu.memory_space<vmem>>
            %dma_wait3A_356 = arith.constant 0 : i32
            %dma_wait3A_357 = arith.constant 0 : i32
            %dma_wait3A_358 = arith.constant 0 : i32
            %dma_wait3A_359 = tpu.memref_slice %dma_wait3A_355[%dma_wait3A_356, %dma_wait3A_357, %dma_wait3A_358] : memref<20x8x128xi32, #tpu.memory_space<vmem>> -> memref<20x2x128xi32, #tpu.memory_space<vmem>>
            %dma_wait3A_360 = arith.constant 0 : i32
            %dma_wait3A_361 = arith.constant 48 : i32
            %dma_wait3A_362 = tpu.memref_slice %arg2[%dma_wait3A_360, %dma_wait3A_361, %mul3A_20] : memref<20x50x1024xi32, #tpu.memory_space<hbm>> -> memref<20x2x128xi32, #tpu.memory_space<hbm>>
            %dma_wait3A_363 = arith.constant 0 : i32
            %dma_wait3A_364 = arith.constant 0 : i32
            %dma_wait3A_365 = arith.constant 0 : i32
            %dma_wait3A_366 = tpu.memref_slice %arg6[%dma_wait3A_350, %dma_wait3A_363, %dma_wait3A_364, %dma_wait3A_365] : memref<2x20x8x128xi32, #tpu.memory_space<vmem>> -> memref<1x20x8x128xi32, #tpu.memory_space<vmem>>
            %dma_wait3A_367 = tpu.memref_squeeze %dma_wait3A_366 : memref<1x20x8x128xi32, #tpu.memory_space<vmem>> -> memref<20x8x128xi32, #tpu.memory_space<vmem>>
            %dma_wait3A_368 = arith.constant 0 : i32
            %dma_wait3A_369 = arith.constant 0 : i32
            %dma_wait3A_370 = arith.constant 0 : i32
            %dma_wait3A_371 = tpu.memref_slice %dma_wait3A_367[%dma_wait3A_368, %dma_wait3A_369, %dma_wait3A_370] : memref<20x8x128xi32, #tpu.memory_space<vmem>> -> memref<20x2x128xi32, #tpu.memory_space<vmem>>
            %dma_wait3A_372 = arith.constant 0 : i32
            %dma_wait3A_373 = arith.constant 48 : i32
            %dma_wait3A_374 = tpu.memref_slice %arg2[%dma_wait3A_372, %dma_wait3A_373, %mul3A_20] : memref<20x50x1024xi32, #tpu.memory_space<hbm>> -> memref<20x2x128xi32, #tpu.memory_space<hbm>>
            tpu.wait_dma2 semaphore(%arg9 : memref<!tpu.dma_semaphore, #tpu.memory_space<semaphore_mem>>) src(%dma_wait3A_374 : memref<20x2x128xi32, #tpu.memory_space<hbm>>) dst(%dma_wait3A_371 : memref<20x2x128xi32, #tpu.memory_space<vmem>>)
          } else {
          }
        } else {
        }
      } else {
      }
      %ge3A_308 = arith.constant 2 : i32
      %ge3A_309 = arith.cmpi sge, %add3A_297, %ge3A_308 : i32
      %convert_element_type3A_310 = arith.extui %ge3A_309 : i1 to i32
      %cond3A_311 = arith.constant 0 : i32
      %cond3A_312 = arith.cmpi ne, %convert_element_type3A_310, %cond3A_311 : i32
      scf.if %cond3A_312 {
        %eq3A_330 = arith.constant 0 : i32
        %eq3A_331 = arith.cmpi eq, %rem3A_304, %eq3A_330 : i32
        %convert_element_type3A_332 = arith.extui %eq3A_331 : i1 to i32
        %cond3A_333 = arith.constant 0 : i32
        %cond3A_334 = arith.cmpi ne, %convert_element_type3A_332, %cond3A_333 : i32
        scf.if %cond3A_334 {
          %sub3A_340 = arith.constant 2 : i32
          %sub3A_341 = arith.subi %add3A_297, %sub3A_340 : i32
          %dma_wait3A_342 = arith.constant 0 : i32
          %dma_wait3A_343 = arith.constant 0 : i32
          %dma_wait3A_344 = tpu.memref_slice %arg7[%dma_wait3A_342, %dma_wait3A_343] : memref<64x640xf32, #tpu.memory_space<vmem>> -> memref<32x640xf32, #tpu.memory_space<vmem>>
          %dma_wait3A_345 = arith.constant 0 : i32
          %dma_wait3A_346 = tpu.memref_slice %arg4[%sub3A_341, %mul3A_2, %dma_wait3A_345] : memref<50x1024x640xf32, #tpu.memory_space<hbm>> -> memref<1x32x640xf32, #tpu.memory_space<hbm>>
          %dma_wait3A_347 = tpu.memref_squeeze %dma_wait3A_346 : memref<1x32x640xf32, #tpu.memory_space<hbm>> -> memref<32x640xf32, #tpu.memory_space<hbm>>
          %dma_wait3A_348 = arith.constant 0 : i32
          %dma_wait3A_349 = tpu.memref_slice %arg4[%sub3A_341, %mul3A_2, %dma_wait3A_348] : memref<50x1024x640xf32, #tpu.memory_space<hbm>> -> memref<1x32x640xf32, #tpu.memory_space<hbm>>
          %dma_wait3A_350 = tpu.memref_squeeze %dma_wait3A_349 : memref<1x32x640xf32, #tpu.memory_space<hbm>> -> memref<32x640xf32, #tpu.memory_space<hbm>>
          %dma_wait3A_351 = arith.constant 0 : i32
          %dma_wait3A_352 = arith.constant 0 : i32
          %dma_wait3A_353 = tpu.memref_slice %arg7[%dma_wait3A_351, %dma_wait3A_352] : memref<64x640xf32, #tpu.memory_space<vmem>> -> memref<32x640xf32, #tpu.memory_space<vmem>>
          tpu.wait_dma2 semaphore(%arg10 : memref<!tpu.dma_semaphore, #tpu.memory_space<semaphore_mem>>) src(%dma_wait3A_353 : memref<32x640xf32, #tpu.memory_space<vmem>>) dst(%dma_wait3A_350 : memref<32x640xf32, #tpu.memory_space<hbm>>)
        } else {
        }
        %eq3A_335 = arith.constant 1 : i32
        %eq3A_336 = arith.cmpi eq, %rem3A_304, %eq3A_335 : i32
        %convert_element_type3A_337 = arith.extui %eq3A_336 : i1 to i32
        %cond3A_338 = arith.constant 0 : i32
        %cond3A_339 = arith.cmpi ne, %convert_element_type3A_337, %cond3A_338 : i32
        scf.if %cond3A_339 {
          %sub3A_340 = arith.constant 2 : i32
          %sub3A_341 = arith.subi %add3A_297, %sub3A_340 : i32
          %dma_wait3A_342 = arith.constant 32 : i32
          %dma_wait3A_343 = arith.constant 0 : i32
          %dma_wait3A_344 = tpu.memref_slice %arg7[%dma_wait3A_342, %dma_wait3A_343] : memref<64x640xf32, #tpu.memory_space<vmem>> -> memref<32x640xf32, #tpu.memory_space<vmem>>
          %dma_wait3A_345 = arith.constant 0 : i32
          %dma_wait3A_346 = tpu.memref_slice %arg4[%sub3A_341, %mul3A_2, %dma_wait3A_345] : memref<50x1024x640xf32, #tpu.memory_space<hbm>> -> memref<1x32x640xf32, #tpu.memory_space<hbm>>
          %dma_wait3A_347 = tpu.memref_squeeze %dma_wait3A_346 : memref<1x32x640xf32, #tpu.memory_space<hbm>> -> memref<32x640xf32, #tpu.memory_space<hbm>>
          %dma_wait3A_348 = arith.constant 0 : i32
          %dma_wait3A_349 = tpu.memref_slice %arg4[%sub3A_341, %mul3A_2, %dma_wait3A_348] : memref<50x1024x640xf32, #tpu.memory_space<hbm>> -> memref<1x32x640xf32, #tpu.memory_space<hbm>>
          %dma_wait3A_350 = tpu.memref_squeeze %dma_wait3A_349 : memref<1x32x640xf32, #tpu.memory_space<hbm>> -> memref<32x640xf32, #tpu.memory_space<hbm>>
          %dma_wait3A_351 = arith.constant 32 : i32
          %dma_wait3A_352 = arith.constant 0 : i32
          %dma_wait3A_353 = tpu.memref_slice %arg7[%dma_wait3A_351, %dma_wait3A_352] : memref<64x640xf32, #tpu.memory_space<vmem>> -> memref<32x640xf32, #tpu.memory_space<vmem>>
          tpu.wait_dma2 semaphore(%arg11 : memref<!tpu.dma_semaphore, #tpu.memory_space<semaphore_mem>>) src(%dma_wait3A_353 : memref<32x640xf32, #tpu.memory_space<vmem>>) dst(%dma_wait3A_350 : memref<32x640xf32, #tpu.memory_space<hbm>>)
        } else {
        }
      } else {
      }
      %parallel_loop3A = arith.constant 0 : i32
      %parallel_loop3A_313 = arith.constant 40 : i32
      %parallel_loop3A_314 = arith.constant 1 : i32
      scf.for %parallel_loop3A_330 = %parallel_loop3A to %parallel_loop3A_313 step %parallel_loop3A_314  : i32 {
        %parallel_loop3A_331 = arith.constant 1 : i32
        %parallel_loop3A_332 = arith.shrsi %parallel_loop3A_330, %parallel_loop3A_331 : i32
        %parallel_loop3A_333 = arith.constant 1 : i32
        %parallel_loop3A_334 = arith.andi %parallel_loop3A_330, %parallel_loop3A_333 : i32
        %parallel_loop3A_335 = vector.broadcast %rem3A_300 : i32 to vector<16xi32>
        %parallel_loop3A_336 = vector.broadcast %parallel_loop3A_332 : i32 to vector<16xi32>
        %parallel_loop3A_337 = vector.broadcast %rem3A_302 : i32 to vector<16xi32>
        %parallel_loop3A_338 = arith.constant 16 : i32
        %parallel_loop3A_339 = arith.muli %parallel_loop3A_334, %parallel_loop3A_338 : i32
        %parallel_loop3A_340 = arith.addi %mul3A_36, %parallel_loop3A_339 : i32
        %parallel_loop3A_341 = vector.broadcast %parallel_loop3A_340 : i32 to vector<16xi32>
        %parallel_loop3A_342 = arith.addi %iota3A, %parallel_loop3A_341 : vector<16xi32>
        %parallel_loop3A_343 = tpu.vector_load_idx %arg6[%parallel_loop3A_335, %parallel_loop3A_336, %parallel_loop3A_337, %parallel_loop3A_342] masked %ge3A_71 : memref<2x20x8x128xi32, #tpu.memory_space<vmem>>[vector<16xi32>, vector<16xi32>, vector<16xi32>, vector<16xi32>], vector<16xi32>, vector<16xi1>
        %parallel_loop3A_344 = arith.constant 32 : i32
        %parallel_loop3A_345 = vector.broadcast %parallel_loop3A_344 : i32 to vector<16xi32>
        %parallel_loop3A_346 = arith.muli %parallel_loop3A_343, %parallel_loop3A_345 : vector<16xi32>
        %parallel_loop3A_347 = arith.constant 32 : i32
        %parallel_loop3A_348 = arith.muli %rem3A_304, %parallel_loop3A_347 : i32
        %parallel_loop3A_349 = arith.constant 16 : i32
        %parallel_loop3A_350 = arith.muli %parallel_loop3A_334, %parallel_loop3A_349 : i32
        %parallel_loop3A_351 = arith.addi %parallel_loop3A_348, %parallel_loop3A_350 : i32
        %parallel_loop3A_352 = vector.broadcast %parallel_loop3A_351 : i32 to vector<16xi32>
        %parallel_loop3A_353 = arith.addi %iota3A, %parallel_loop3A_352 : vector<16xi32>
        %parallel_loop3A_354 = arith.constant 32 : i32
        %parallel_loop3A_355 = arith.muli %parallel_loop3A_332, %parallel_loop3A_354 : i32
        %parallel_loop3A_356 = arith.addi %parallel_loop3A_346, %and3A_77 : vector<16xi32>
        %parallel_loop3A_357 = tpu.vector_load_idx %arg5[%parallel_loop3A_356] masked %ge3A_71 : memref<3296xf32, #tpu.memory_space<vmem>>[vector<16xi32>], vector<16xf32>, vector<16xi1>
        %parallel_loop3A_358 = vector.broadcast %parallel_loop3A_355 : i32 to vector<16xi32>
        %parallel_loop3A_359 = arith.addi %and3A_77, %parallel_loop3A_358 : vector<16xi32>
        tpu.vector_store_idx %arg7[%parallel_loop3A_353, %parallel_loop3A_359], %parallel_loop3A_357 masked %ge3A_71 : memref<64x640xf32, #tpu.memory_space<vmem>>[vector<16xi32>, vector<16xi32>], vector<16xf32>, vector<16xi1>
        %parallel_loop3A_360 = arith.addi %parallel_loop3A_346, %and3A_83 : vector<16xi32>
        %parallel_loop3A_361 = tpu.vector_load_idx %arg5[%parallel_loop3A_360] masked %ge3A_71 : memref<3296xf32, #tpu.memory_space<vmem>>[vector<16xi32>], vector<16xf32>, vector<16xi1>
        %parallel_loop3A_362 = vector.broadcast %parallel_loop3A_355 : i32 to vector<16xi32>
        %parallel_loop3A_363 = arith.addi %and3A_83, %parallel_loop3A_362 : vector<16xi32>
        tpu.vector_store_idx %arg7[%parallel_loop3A_353, %parallel_loop3A_363], %parallel_loop3A_361 masked %ge3A_71 : memref<64x640xf32, #tpu.memory_space<vmem>>[vector<16xi32>, vector<16xi32>], vector<16xf32>, vector<16xi1>
        %parallel_loop3A_364 = arith.addi %parallel_loop3A_346, %and3A_89 : vector<16xi32>
        %parallel_loop3A_365 = tpu.vector_load_idx %arg5[%parallel_loop3A_364] masked %ge3A_71 : memref<3296xf32, #tpu.memory_space<vmem>>[vector<16xi32>], vector<16xf32>, vector<16xi1>
        %parallel_loop3A_366 = vector.broadcast %parallel_loop3A_355 : i32 to vector<16xi32>
        %parallel_loop3A_367 = arith.addi %and3A_89, %parallel_loop3A_366 : vector<16xi32>
        tpu.vector_store_idx %arg7[%parallel_loop3A_353, %parallel_loop3A_367], %parallel_loop3A_365 masked %ge3A_71 : memref<64x640xf32, #tpu.memory_space<vmem>>[vector<16xi32>, vector<16xi32>], vector<16xf32>, vector<16xi1>
        %parallel_loop3A_368 = arith.addi %parallel_loop3A_346, %and3A_95 : vector<16xi32>
        %parallel_loop3A_369 = tpu.vector_load_idx %arg5[%parallel_loop3A_368] masked %ge3A_71 : memref<3296xf32, #tpu.memory_space<vmem>>[vector<16xi32>], vector<16xf32>, vector<16xi1>
        %parallel_loop3A_370 = vector.broadcast %parallel_loop3A_355 : i32 to vector<16xi32>
        %parallel_loop3A_371 = arith.addi %and3A_95, %parallel_loop3A_370 : vector<16xi32>
        tpu.vector_store_idx %arg7[%parallel_loop3A_353, %parallel_loop3A_371], %parallel_loop3A_369 masked %ge3A_71 : memref<64x640xf32, #tpu.memory_space<vmem>>[vector<16xi32>, vector<16xi32>], vector<16xf32>, vector<16xi1>
        %parallel_loop3A_372 = arith.addi %parallel_loop3A_346, %and3A_101 : vector<16xi32>
        %parallel_loop3A_373 = tpu.vector_load_idx %arg5[%parallel_loop3A_372] masked %ge3A_71 : memref<3296xf32, #tpu.memory_space<vmem>>[vector<16xi32>], vector<16xf32>, vector<16xi1>
        %parallel_loop3A_374 = vector.broadcast %parallel_loop3A_355 : i32 to vector<16xi32>
        %parallel_loop3A_375 = arith.addi %and3A_101, %parallel_loop3A_374 : vector<16xi32>
        tpu.vector_store_idx %arg7[%parallel_loop3A_353, %parallel_loop3A_375], %parallel_loop3A_373 masked %ge3A_71 : memref<64x640xf32, #tpu.memory_space<vmem>>[vector<16xi32>, vector<16xi32>], vector<16xf32>, vector<16xi1>
        %parallel_loop3A_376 = arith.addi %parallel_loop3A_346, %and3A_107 : vector<16xi32>
        %parallel_loop3A_377 = tpu.vector_load_idx %arg5[%parallel_loop3A_376] masked %ge3A_71 : memref<3296xf32, #tpu.memory_space<vmem>>[vector<16xi32>], vector<16xf32>, vector<16xi1>
        %parallel_loop3A_378 = vector.broadcast %parallel_loop3A_355 : i32 to vector<16xi32>
        %parallel_loop3A_379 = arith.addi %and3A_107, %parallel_loop3A_378 : vector<16xi32>
        tpu.vector_store_idx %arg7[%parallel_loop3A_353, %parallel_loop3A_379], %parallel_loop3A_377 masked %ge3A_71 : memref<64x640xf32, #tpu.memory_space<vmem>>[vector<16xi32>, vector<16xi32>], vector<16xf32>, vector<16xi1>
        %parallel_loop3A_380 = arith.addi %parallel_loop3A_346, %and3A_113 : vector<16xi32>
        %parallel_loop3A_381 = tpu.vector_load_idx %arg5[%parallel_loop3A_380] masked %ge3A_71 : memref<3296xf32, #tpu.memory_space<vmem>>[vector<16xi32>], vector<16xf32>, vector<16xi1>
        %parallel_loop3A_382 = vector.broadcast %parallel_loop3A_355 : i32 to vector<16xi32>
        %parallel_loop3A_383 = arith.addi %and3A_113, %parallel_loop3A_382 : vector<16xi32>
        tpu.vector_store_idx %arg7[%parallel_loop3A_353, %parallel_loop3A_383], %parallel_loop3A_381 masked %ge3A_71 : memref<64x640xf32, #tpu.memory_space<vmem>>[vector<16xi32>, vector<16xi32>], vector<16xf32>, vector<16xi1>
        %parallel_loop3A_384 = arith.addi %parallel_loop3A_346, %and3A_119 : vector<16xi32>
        %parallel_loop3A_385 = tpu.vector_load_idx %arg5[%parallel_loop3A_384] masked %ge3A_71 : memref<3296xf32, #tpu.memory_space<vmem>>[vector<16xi32>], vector<16xf32>, vector<16xi1>
        %parallel_loop3A_386 = vector.broadcast %parallel_loop3A_355 : i32 to vector<16xi32>
        %parallel_loop3A_387 = arith.addi %and3A_119, %parallel_loop3A_386 : vector<16xi32>
        tpu.vector_store_idx %arg7[%parallel_loop3A_353, %parallel_loop3A_387], %parallel_loop3A_385 masked %ge3A_71 : memref<64x640xf32, #tpu.memory_space<vmem>>[vector<16xi32>, vector<16xi32>], vector<16xf32>, vector<16xi1>
        %parallel_loop3A_388 = arith.addi %parallel_loop3A_346, %and3A_125 : vector<16xi32>
        %parallel_loop3A_389 = tpu.vector_load_idx %arg5[%parallel_loop3A_388] masked %ge3A_71 : memref<3296xf32, #tpu.memory_space<vmem>>[vector<16xi32>], vector<16xf32>, vector<16xi1>
        %parallel_loop3A_390 = vector.broadcast %parallel_loop3A_355 : i32 to vector<16xi32>
        %parallel_loop3A_391 = arith.addi %and3A_125, %parallel_loop3A_390 : vector<16xi32>
        tpu.vector_store_idx %arg7[%parallel_loop3A_353, %parallel_loop3A_391], %parallel_loop3A_389 masked %ge3A_71 : memref<64x640xf32, #tpu.memory_space<vmem>>[vector<16xi32>, vector<16xi32>], vector<16xf32>, vector<16xi1>
        %parallel_loop3A_392 = arith.addi %parallel_loop3A_346, %and3A_131 : vector<16xi32>
        %parallel_loop3A_393 = tpu.vector_load_idx %arg5[%parallel_loop3A_392] masked %ge3A_71 : memref<3296xf32, #tpu.memory_space<vmem>>[vector<16xi32>], vector<16xf32>, vector<16xi1>
        %parallel_loop3A_394 = vector.broadcast %parallel_loop3A_355 : i32 to vector<16xi32>
        %parallel_loop3A_395 = arith.addi %and3A_131, %parallel_loop3A_394 : vector<16xi32>
        tpu.vector_store_idx %arg7[%parallel_loop3A_353, %parallel_loop3A_395], %parallel_loop3A_393 masked %ge3A_71 : memref<64x640xf32, #tpu.memory_space<vmem>>[vector<16xi32>, vector<16xi32>], vector<16xf32>, vector<16xi1>
        %parallel_loop3A_396 = arith.addi %parallel_loop3A_346, %and3A_137 : vector<16xi32>
        %parallel_loop3A_397 = tpu.vector_load_idx %arg5[%parallel_loop3A_396] masked %ge3A_71 : memref<3296xf32, #tpu.memory_space<vmem>>[vector<16xi32>], vector<16xf32>, vector<16xi1>
        %parallel_loop3A_398 = vector.broadcast %parallel_loop3A_355 : i32 to vector<16xi32>
        %parallel_loop3A_399 = arith.addi %and3A_137, %parallel_loop3A_398 : vector<16xi32>
        tpu.vector_store_idx %arg7[%parallel_loop3A_353, %parallel_loop3A_399], %parallel_loop3A_397 masked %ge3A_71 : memref<64x640xf32, #tpu.memory_space<vmem>>[vector<16xi32>, vector<16xi32>], vector<16xf32>, vector<16xi1>
        %parallel_loop3A_400 = arith.addi %parallel_loop3A_346, %and3A_143 : vector<16xi32>
        %parallel_loop3A_401 = tpu.vector_load_idx %arg5[%parallel_loop3A_400] masked %ge3A_71 : memref<3296xf32, #tpu.memory_space<vmem>>[vector<16xi32>], vector<16xf32>, vector<16xi1>
        %parallel_loop3A_402 = vector.broadcast %parallel_loop3A_355 : i32 to vector<16xi32>
        %parallel_loop3A_403 = arith.addi %and3A_143, %parallel_loop3A_402 : vector<16xi32>
        tpu.vector_store_idx %arg7[%parallel_loop3A_353, %parallel_loop3A_403], %parallel_loop3A_401 masked %ge3A_71 : memref<64x640xf32, #tpu.memory_space<vmem>>[vector<16xi32>, vector<16xi32>], vector<16xf32>, vector<16xi1>
        %parallel_loop3A_404 = arith.addi %parallel_loop3A_346, %and3A_149 : vector<16xi32>
        %parallel_loop3A_405 = tpu.vector_load_idx %arg5[%parallel_loop3A_404] masked %ge3A_71 : memref<3296xf32, #tpu.memory_space<vmem>>[vector<16xi32>], vector<16xf32>, vector<16xi1>
        %parallel_loop3A_406 = vector.broadcast %parallel_loop3A_355 : i32 to vector<16xi32>
        %parallel_loop3A_407 = arith.addi %and3A_149, %parallel_loop3A_406 : vector<16xi32>
        tpu.vector_store_idx %arg7[%parallel_loop3A_353, %parallel_loop3A_407], %parallel_loop3A_405 masked %ge3A_71 : memref<64x640xf32, #tpu.memory_space<vmem>>[vector<16xi32>, vector<16xi32>], vector<16xf32>, vector<16xi1>
        %parallel_loop3A_408 = arith.addi %parallel_loop3A_346, %and3A_155 : vector<16xi32>
        %parallel_loop3A_409 = tpu.vector_load_idx %arg5[%parallel_loop3A_408] masked %ge3A_71 : memref<3296xf32, #tpu.memory_space<vmem>>[vector<16xi32>], vector<16xf32>, vector<16xi1>
        %parallel_loop3A_410 = vector.broadcast %parallel_loop3A_355 : i32 to vector<16xi32>
        %parallel_loop3A_411 = arith.addi %and3A_155, %parallel_loop3A_410 : vector<16xi32>
        tpu.vector_store_idx %arg7[%parallel_loop3A_353, %parallel_loop3A_411], %parallel_loop3A_409 masked %ge3A_71 : memref<64x640xf32, #tpu.memory_space<vmem>>[vector<16xi32>, vector<16xi32>], vector<16xf32>, vector<16xi1>
        %parallel_loop3A_412 = arith.addi %parallel_loop3A_346, %and3A_161 : vector<16xi32>
        %parallel_loop3A_413 = tpu.vector_load_idx %arg5[%parallel_loop3A_412] masked %ge3A_71 : memref<3296xf32, #tpu.memory_space<vmem>>[vector<16xi32>], vector<16xf32>, vector<16xi1>
        %parallel_loop3A_414 = vector.broadcast %parallel_loop3A_355 : i32 to vector<16xi32>
        %parallel_loop3A_415 = arith.addi %and3A_161, %parallel_loop3A_414 : vector<16xi32>
        tpu.vector_store_idx %arg7[%parallel_loop3A_353, %parallel_loop3A_415], %parallel_loop3A_413 masked %ge3A_71 : memref<64x640xf32, #tpu.memory_space<vmem>>[vector<16xi32>, vector<16xi32>], vector<16xf32>, vector<16xi1>
        %parallel_loop3A_416 = arith.addi %parallel_loop3A_346, %and3A_167 : vector<16xi32>
        %parallel_loop3A_417 = tpu.vector_load_idx %arg5[%parallel_loop3A_416] masked %ge3A_71 : memref<3296xf32, #tpu.memory_space<vmem>>[vector<16xi32>], vector<16xf32>, vector<16xi1>
        %parallel_loop3A_418 = vector.broadcast %parallel_loop3A_355 : i32 to vector<16xi32>
        %parallel_loop3A_419 = arith.addi %and3A_167, %parallel_loop3A_418 : vector<16xi32>
        tpu.vector_store_idx %arg7[%parallel_loop3A_353, %parallel_loop3A_419], %parallel_loop3A_417 masked %ge3A_71 : memref<64x640xf32, #tpu.memory_space<vmem>>[vector<16xi32>, vector<16xi32>], vector<16xf32>, vector<16xi1>
        %parallel_loop3A_420 = arith.addi %parallel_loop3A_346, %and3A_173 : vector<16xi32>
        %parallel_loop3A_421 = tpu.vector_load_idx %arg5[%parallel_loop3A_420] masked %ge3A_71 : memref<3296xf32, #tpu.memory_space<vmem>>[vector<16xi32>], vector<16xf32>, vector<16xi1>
        %parallel_loop3A_422 = vector.broadcast %parallel_loop3A_355 : i32 to vector<16xi32>
        %parallel_loop3A_423 = arith.addi %and3A_173, %parallel_loop3A_422 : vector<16xi32>
        tpu.vector_store_idx %arg7[%parallel_loop3A_353, %parallel_loop3A_423], %parallel_loop3A_421 masked %ge3A_71 : memref<64x640xf32, #tpu.memory_space<vmem>>[vector<16xi32>, vector<16xi32>], vector<16xf32>, vector<16xi1>
        %parallel_loop3A_424 = arith.addi %parallel_loop3A_346, %and3A_179 : vector<16xi32>
        %parallel_loop3A_425 = tpu.vector_load_idx %arg5[%parallel_loop3A_424] masked %ge3A_71 : memref<3296xf32, #tpu.memory_space<vmem>>[vector<16xi32>], vector<16xf32>, vector<16xi1>
        %parallel_loop3A_426 = vector.broadcast %parallel_loop3A_355 : i32 to vector<16xi32>
        %parallel_loop3A_427 = arith.addi %and3A_179, %parallel_loop3A_426 : vector<16xi32>
        tpu.vector_store_idx %arg7[%parallel_loop3A_353, %parallel_loop3A_427], %parallel_loop3A_425 masked %ge3A_71 : memref<64x640xf32, #tpu.memory_space<vmem>>[vector<16xi32>, vector<16xi32>], vector<16xf32>, vector<16xi1>
        %parallel_loop3A_428 = arith.addi %parallel_loop3A_346, %and3A_185 : vector<16xi32>
        %parallel_loop3A_429 = tpu.vector_load_idx %arg5[%parallel_loop3A_428] masked %ge3A_71 : memref<3296xf32, #tpu.memory_space<vmem>>[vector<16xi32>], vector<16xf32>, vector<16xi1>
        %parallel_loop3A_430 = vector.broadcast %parallel_loop3A_355 : i32 to vector<16xi32>
        %parallel_loop3A_431 = arith.addi %and3A_185, %parallel_loop3A_430 : vector<16xi32>
        tpu.vector_store_idx %arg7[%parallel_loop3A_353, %parallel_loop3A_431], %parallel_loop3A_429 masked %ge3A_71 : memref<64x640xf32, #tpu.memory_space<vmem>>[vector<16xi32>, vector<16xi32>], vector<16xf32>, vector<16xi1>
        %parallel_loop3A_432 = arith.addi %parallel_loop3A_346, %and3A_191 : vector<16xi32>
        %parallel_loop3A_433 = tpu.vector_load_idx %arg5[%parallel_loop3A_432] masked %ge3A_71 : memref<3296xf32, #tpu.memory_space<vmem>>[vector<16xi32>], vector<16xf32>, vector<16xi1>
        %parallel_loop3A_434 = vector.broadcast %parallel_loop3A_355 : i32 to vector<16xi32>
        %parallel_loop3A_435 = arith.addi %and3A_191, %parallel_loop3A_434 : vector<16xi32>
        tpu.vector_store_idx %arg7[%parallel_loop3A_353, %parallel_loop3A_435], %parallel_loop3A_433 masked %ge3A_71 : memref<64x640xf32, #tpu.memory_space<vmem>>[vector<16xi32>, vector<16xi32>], vector<16xf32>, vector<16xi1>
        %parallel_loop3A_436 = arith.addi %parallel_loop3A_346, %and3A_197 : vector<16xi32>
        %parallel_loop3A_437 = tpu.vector_load_idx %arg5[%parallel_loop3A_436] masked %ge3A_71 : memref<3296xf32, #tpu.memory_space<vmem>>[vector<16xi32>], vector<16xf32>, vector<16xi1>
        %parallel_loop3A_438 = vector.broadcast %parallel_loop3A_355 : i32 to vector<16xi32>
        %parallel_loop3A_439 = arith.addi %and3A_197, %parallel_loop3A_438 : vector<16xi32>
        tpu.vector_store_idx %arg7[%parallel_loop3A_353, %parallel_loop3A_439], %parallel_loop3A_437 masked %ge3A_71 : memref<64x640xf32, #tpu.memory_space<vmem>>[vector<16xi32>, vector<16xi32>], vector<16xf32>, vector<16xi1>
        %parallel_loop3A_440 = arith.addi %parallel_loop3A_346, %and3A_203 : vector<16xi32>
        %parallel_loop3A_441 = tpu.vector_load_idx %arg5[%parallel_loop3A_440] masked %ge3A_71 : memref<3296xf32, #tpu.memory_space<vmem>>[vector<16xi32>], vector<16xf32>, vector<16xi1>
        %parallel_loop3A_442 = vector.broadcast %parallel_loop3A_355 : i32 to vector<16xi32>
        %parallel_loop3A_443 = arith.addi %and3A_203, %parallel_loop3A_442 : vector<16xi32>
        tpu.vector_store_idx %arg7[%parallel_loop3A_353, %parallel_loop3A_443], %parallel_loop3A_441 masked %ge3A_71 : memref<64x640xf32, #tpu.memory_space<vmem>>[vector<16xi32>, vector<16xi32>], vector<16xf32>, vector<16xi1>
        %parallel_loop3A_444 = arith.addi %parallel_loop3A_346, %and3A_209 : vector<16xi32>
        %parallel_loop3A_445 = tpu.vector_load_idx %arg5[%parallel_loop3A_444] masked %ge3A_71 : memref<3296xf32, #tpu.memory_space<vmem>>[vector<16xi32>], vector<16xf32>, vector<16xi1>
        %parallel_loop3A_446 = vector.broadcast %parallel_loop3A_355 : i32 to vector<16xi32>
        %parallel_loop3A_447 = arith.addi %and3A_209, %parallel_loop3A_446 : vector<16xi32>
        tpu.vector_store_idx %arg7[%parallel_loop3A_353, %parallel_loop3A_447], %parallel_loop3A_445 masked %ge3A_71 : memref<64x640xf32, #tpu.memory_space<vmem>>[vector<16xi32>, vector<16xi32>], vector<16xf32>, vector<16xi1>
        %parallel_loop3A_448 = arith.addi %parallel_loop3A_346, %and3A_215 : vector<16xi32>
        %parallel_loop3A_449 = tpu.vector_load_idx %arg5[%parallel_loop3A_448] masked %ge3A_71 : memref<3296xf32, #tpu.memory_space<vmem>>[vector<16xi32>], vector<16xf32>, vector<16xi1>
        %parallel_loop3A_450 = vector.broadcast %parallel_loop3A_355 : i32 to vector<16xi32>
        %parallel_loop3A_451 = arith.addi %and3A_215, %parallel_loop3A_450 : vector<16xi32>
        tpu.vector_store_idx %arg7[%parallel_loop3A_353, %parallel_loop3A_451], %parallel_loop3A_449 masked %ge3A_71 : memref<64x640xf32, #tpu.memory_space<vmem>>[vector<16xi32>, vector<16xi32>], vector<16xf32>, vector<16xi1>
        %parallel_loop3A_452 = arith.addi %parallel_loop3A_346, %and3A_221 : vector<16xi32>
        %parallel_loop3A_453 = tpu.vector_load_idx %arg5[%parallel_loop3A_452] masked %ge3A_71 : memref<3296xf32, #tpu.memory_space<vmem>>[vector<16xi32>], vector<16xf32>, vector<16xi1>
        %parallel_loop3A_454 = vector.broadcast %parallel_loop3A_355 : i32 to vector<16xi32>
        %parallel_loop3A_455 = arith.addi %and3A_221, %parallel_loop3A_454 : vector<16xi32>
        tpu.vector_store_idx %arg7[%parallel_loop3A_353, %parallel_loop3A_455], %parallel_loop3A_453 masked %ge3A_71 : memref<64x640xf32, #tpu.memory_space<vmem>>[vector<16xi32>, vector<16xi32>], vector<16xf32>, vector<16xi1>
        %parallel_loop3A_456 = arith.addi %parallel_loop3A_346, %and3A_227 : vector<16xi32>
        %parallel_loop3A_457 = tpu.vector_load_idx %arg5[%parallel_loop3A_456] masked %ge3A_71 : memref<3296xf32, #tpu.memory_space<vmem>>[vector<16xi32>], vector<16xf32>, vector<16xi1>
        %parallel_loop3A_458 = vector.broadcast %parallel_loop3A_355 : i32 to vector<16xi32>
        %parallel_loop3A_459 = arith.addi %and3A_227, %parallel_loop3A_458 : vector<16xi32>
        tpu.vector_store_idx %arg7[%parallel_loop3A_353, %parallel_loop3A_459], %parallel_loop3A_457 masked %ge3A_71 : memref<64x640xf32, #tpu.memory_space<vmem>>[vector<16xi32>, vector<16xi32>], vector<16xf32>, vector<16xi1>
        %parallel_loop3A_460 = arith.addi %parallel_loop3A_346, %and3A_233 : vector<16xi32>
        %parallel_loop3A_461 = tpu.vector_load_idx %arg5[%parallel_loop3A_460] masked %ge3A_71 : memref<3296xf32, #tpu.memory_space<vmem>>[vector<16xi32>], vector<16xf32>, vector<16xi1>
        %parallel_loop3A_462 = vector.broadcast %parallel_loop3A_355 : i32 to vector<16xi32>
        %parallel_loop3A_463 = arith.addi %and3A_233, %parallel_loop3A_462 : vector<16xi32>
        tpu.vector_store_idx %arg7[%parallel_loop3A_353, %parallel_loop3A_463], %parallel_loop3A_461 masked %ge3A_71 : memref<64x640xf32, #tpu.memory_space<vmem>>[vector<16xi32>, vector<16xi32>], vector<16xf32>, vector<16xi1>
        %parallel_loop3A_464 = arith.addi %parallel_loop3A_346, %and3A_239 : vector<16xi32>
        %parallel_loop3A_465 = tpu.vector_load_idx %arg5[%parallel_loop3A_464] masked %ge3A_71 : memref<3296xf32, #tpu.memory_space<vmem>>[vector<16xi32>], vector<16xf32>, vector<16xi1>
        %parallel_loop3A_466 = vector.broadcast %parallel_loop3A_355 : i32 to vector<16xi32>
        %parallel_loop3A_467 = arith.addi %and3A_239, %parallel_loop3A_466 : vector<16xi32>
        tpu.vector_store_idx %arg7[%parallel_loop3A_353, %parallel_loop3A_467], %parallel_loop3A_465 masked %ge3A_71 : memref<64x640xf32, #tpu.memory_space<vmem>>[vector<16xi32>, vector<16xi32>], vector<16xf32>, vector<16xi1>
        %parallel_loop3A_468 = arith.addi %parallel_loop3A_346, %and3A_245 : vector<16xi32>
        %parallel_loop3A_469 = tpu.vector_load_idx %arg5[%parallel_loop3A_468] masked %ge3A_71 : memref<3296xf32, #tpu.memory_space<vmem>>[vector<16xi32>], vector<16xf32>, vector<16xi1>
        %parallel_loop3A_470 = vector.broadcast %parallel_loop3A_355 : i32 to vector<16xi32>
        %parallel_loop3A_471 = arith.addi %and3A_245, %parallel_loop3A_470 : vector<16xi32>
        tpu.vector_store_idx %arg7[%parallel_loop3A_353, %parallel_loop3A_471], %parallel_loop3A_469 masked %ge3A_71 : memref<64x640xf32, #tpu.memory_space<vmem>>[vector<16xi32>, vector<16xi32>], vector<16xf32>, vector<16xi1>
        %parallel_loop3A_472 = arith.addi %parallel_loop3A_346, %and3A_251 : vector<16xi32>
        %parallel_loop3A_473 = tpu.vector_load_idx %arg5[%parallel_loop3A_472] masked %ge3A_71 : memref<3296xf32, #tpu.memory_space<vmem>>[vector<16xi32>], vector<16xf32>, vector<16xi1>
        %parallel_loop3A_474 = vector.broadcast %parallel_loop3A_355 : i32 to vector<16xi32>
        %parallel_loop3A_475 = arith.addi %and3A_251, %parallel_loop3A_474 : vector<16xi32>
        tpu.vector_store_idx %arg7[%parallel_loop3A_353, %parallel_loop3A_475], %parallel_loop3A_473 masked %ge3A_71 : memref<64x640xf32, #tpu.memory_space<vmem>>[vector<16xi32>, vector<16xi32>], vector<16xf32>, vector<16xi1>
        %parallel_loop3A_476 = arith.addi %parallel_loop3A_346, %and3A_257 : vector<16xi32>
        %parallel_loop3A_477 = tpu.vector_load_idx %arg5[%parallel_loop3A_476] masked %ge3A_71 : memref<3296xf32, #tpu.memory_space<vmem>>[vector<16xi32>], vector<16xf32>, vector<16xi1>
        %parallel_loop3A_478 = vector.broadcast %parallel_loop3A_355 : i32 to vector<16xi32>
        %parallel_loop3A_479 = arith.addi %and3A_257, %parallel_loop3A_478 : vector<16xi32>
        tpu.vector_store_idx %arg7[%parallel_loop3A_353, %parallel_loop3A_479], %parallel_loop3A_477 masked %ge3A_71 : memref<64x640xf32, #tpu.memory_space<vmem>>[vector<16xi32>, vector<16xi32>], vector<16xf32>, vector<16xi1>
        %parallel_loop3A_480 = arith.addi %parallel_loop3A_346, %and3A_263 : vector<16xi32>
        %parallel_loop3A_481 = tpu.vector_load_idx %arg5[%parallel_loop3A_480] masked %ge3A_71 : memref<3296xf32, #tpu.memory_space<vmem>>[vector<16xi32>], vector<16xf32>, vector<16xi1>
        %parallel_loop3A_482 = vector.broadcast %parallel_loop3A_355 : i32 to vector<16xi32>
        %parallel_loop3A_483 = arith.addi %and3A_263, %parallel_loop3A_482 : vector<16xi32>
        tpu.vector_store_idx %arg7[%parallel_loop3A_353, %parallel_loop3A_483], %parallel_loop3A_481 masked %ge3A_71 : memref<64x640xf32, #tpu.memory_space<vmem>>[vector<16xi32>, vector<16xi32>], vector<16xf32>, vector<16xi1>
      } {sc.loop_unroll_factor = 2 : i64, sc.parallel_access}
      %eq3A_315 = arith.constant 0 : i32
      %eq3A_316 = arith.cmpi eq, %rem3A_304, %eq3A_315 : i32
      %convert_element_type3A_317 = arith.extui %eq3A_316 : i1 to i32
      %cond3A_318 = arith.constant 0 : i32
      %cond3A_319 = arith.cmpi ne, %convert_element_type3A_317, %cond3A_318 : i32
      scf.if %cond3A_319 {
        %dma_start3A_330 = arith.constant 0 : i32
        %dma_start3A_331 = arith.constant 0 : i32
        %dma_start3A_332 = tpu.memref_slice %arg7[%dma_start3A_330, %dma_start3A_331] : memref<64x640xf32, #tpu.memory_space<vmem>> -> memref<32x640xf32, #tpu.memory_space<vmem>>
        %dma_start3A_333 = arith.constant 0 : i32
        %dma_start3A_334 = tpu.memref_slice %arg4[%add3A_297, %mul3A_2, %dma_start3A_333] : memref<50x1024x640xf32, #tpu.memory_space<hbm>> -> memref<1x32x640xf32, #tpu.memory_space<hbm>>
        %dma_start3A_335 = tpu.memref_squeeze %dma_start3A_334 : memref<1x32x640xf32, #tpu.memory_space<hbm>> -> memref<32x640xf32, #tpu.memory_space<hbm>>
        %dma_start3A_336 = arith.constant 0 : i32
        %dma_start3A_337 = tpu.memref_slice %arg4[%add3A_297, %mul3A_2, %dma_start3A_336] : memref<50x1024x640xf32, #tpu.memory_space<hbm>> -> memref<1x32x640xf32, #tpu.memory_space<hbm>>
        %dma_start3A_338 = tpu.memref_squeeze %dma_start3A_337 : memref<1x32x640xf32, #tpu.memory_space<hbm>> -> memref<32x640xf32, #tpu.memory_space<hbm>>
        %dma_start3A_339 = arith.constant 0 : i32
        %dma_start3A_340 = arith.constant 0 : i32
        %dma_start3A_341 = tpu.memref_slice %arg7[%dma_start3A_339, %dma_start3A_340] : memref<64x640xf32, #tpu.memory_space<vmem>> -> memref<32x640xf32, #tpu.memory_space<vmem>>
        tpu.enqueue_dma source(%dma_start3A_341 : memref<32x640xf32, #tpu.memory_space<vmem>>) target(%dma_start3A_338 : memref<32x640xf32, #tpu.memory_space<hbm>>) target_semaphore(%arg10 : memref<!tpu.dma_semaphore, #tpu.memory_space<semaphore_mem>>)
      } else {
      }
      %eq3A_320 = arith.constant 1 : i32
      %eq3A_321 = arith.cmpi eq, %rem3A_304, %eq3A_320 : i32
      %convert_element_type3A_322 = arith.extui %eq3A_321 : i1 to i32
      %cond3A_323 = arith.constant 0 : i32
      %cond3A_324 = arith.cmpi ne, %convert_element_type3A_322, %cond3A_323 : i32
      scf.if %cond3A_324 {
        %dma_start3A_330 = arith.constant 32 : i32
        %dma_start3A_331 = arith.constant 0 : i32
        %dma_start3A_332 = tpu.memref_slice %arg7[%dma_start3A_330, %dma_start3A_331] : memref<64x640xf32, #tpu.memory_space<vmem>> -> memref<32x640xf32, #tpu.memory_space<vmem>>
        %dma_start3A_333 = arith.constant 0 : i32
        %dma_start3A_334 = tpu.memref_slice %arg4[%add3A_297, %mul3A_2, %dma_start3A_333] : memref<50x1024x640xf32, #tpu.memory_space<hbm>> -> memref<1x32x640xf32, #tpu.memory_space<hbm>>
        %dma_start3A_335 = tpu.memref_squeeze %dma_start3A_334 : memref<1x32x640xf32, #tpu.memory_space<hbm>> -> memref<32x640xf32, #tpu.memory_space<hbm>>
        %dma_start3A_336 = arith.constant 0 : i32
        %dma_start3A_337 = tpu.memref_slice %arg4[%add3A_297, %mul3A_2, %dma_start3A_336] : memref<50x1024x640xf32, #tpu.memory_space<hbm>> -> memref<1x32x640xf32, #tpu.memory_space<hbm>>
        %dma_start3A_338 = tpu.memref_squeeze %dma_start3A_337 : memref<1x32x640xf32, #tpu.memory_space<hbm>> -> memref<32x640xf32, #tpu.memory_space<hbm>>
        %dma_start3A_339 = arith.constant 32 : i32
        %dma_start3A_340 = arith.constant 0 : i32
        %dma_start3A_341 = tpu.memref_slice %arg7[%dma_start3A_339, %dma_start3A_340] : memref<64x640xf32, #tpu.memory_space<vmem>> -> memref<32x640xf32, #tpu.memory_space<vmem>>
        tpu.enqueue_dma source(%dma_start3A_341 : memref<32x640xf32, #tpu.memory_space<vmem>>) target(%dma_start3A_338 : memref<32x640xf32, #tpu.memory_space<hbm>>) target_semaphore(%arg11 : memref<!tpu.dma_semaphore, #tpu.memory_space<semaphore_mem>>)
      } else {
      }
      %eq3A_325 = arith.constant 7 : i32
      %eq3A_326 = arith.cmpi eq, %rem3A_302, %eq3A_325 : i32
      %convert_element_type3A_327 = arith.extui %eq3A_326 : i1 to i32
      %cond3A_328 = arith.constant 0 : i32
      %cond3A_329 = arith.cmpi ne, %convert_element_type3A_327, %cond3A_328 : i32
      scf.if %cond3A_329 {
        %eq3A_330 = arith.constant 0 : i32
        %eq3A_331 = arith.cmpi eq, %rem3A_300, %eq3A_330 : i32
        %convert_element_type3A_332 = arith.extui %eq3A_331 : i1 to i32
        %cond3A_333 = arith.constant 0 : i32
        %cond3A_334 = arith.cmpi ne, %convert_element_type3A_332, %cond3A_333 : i32
        scf.if %cond3A_334 {
          %add3A_340 = arith.constant 2 : i32
          %add3A_341 = arith.addi %shift_right_arithmetic3A_298, %add3A_340 : i32
          %lt3A_342 = arith.constant 6 : i32
          %lt3A_343 = arith.cmpi slt, %add3A_341, %lt3A_342 : i32
          %convert_element_type3A_344 = arith.extui %lt3A_343 : i1 to i32
          %cond3A_345 = arith.constant 0 : i32
          %cond3A_346 = arith.cmpi ne, %convert_element_type3A_344, %cond3A_345 : i32
          scf.if %cond3A_346 {
            %add3A_354 = arith.constant 2 : i32
            %add3A_355 = arith.addi %shift_right_arithmetic3A_298, %add3A_354 : i32
            %mul3A_356 = arith.constant 8 : i32
            %mul3A_357 = arith.muli %add3A_355, %mul3A_356 : i32
            %dma_start3A_358 = arith.constant 0 : i32
            %dma_start3A_359 = arith.constant 0 : i32
            %dma_start3A_360 = arith.constant 0 : i32
            %dma_start3A_361 = arith.constant 0 : i32
            %dma_start3A_362 = tpu.memref_slice %arg6[%dma_start3A_358, %dma_start3A_359, %dma_start3A_360, %dma_start3A_361] : memref<2x20x8x128xi32, #tpu.memory_space<vmem>> -> memref<1x20x8x128xi32, #tpu.memory_space<vmem>>
            %dma_start3A_363 = tpu.memref_squeeze %dma_start3A_362 : memref<1x20x8x128xi32, #tpu.memory_space<vmem>> -> memref<20x8x128xi32, #tpu.memory_space<vmem>>
            %dma_start3A_364 = arith.constant 0 : i32
            %dma_start3A_365 = tpu.memref_slice %arg2[%dma_start3A_364, %mul3A_357, %mul3A_20] : memref<20x50x1024xi32, #tpu.memory_space<hbm>> -> memref<20x8x128xi32, #tpu.memory_space<hbm>>
            %dma_start3A_366 = arith.constant 0 : i32
            %dma_start3A_367 = arith.constant 0 : i32
            %dma_start3A_368 = arith.constant 0 : i32
            %dma_start3A_369 = tpu.memref_slice %arg6[%dma_start3A_358, %dma_start3A_366, %dma_start3A_367, %dma_start3A_368] : memref<2x20x8x128xi32, #tpu.memory_space<vmem>> -> memref<1x20x8x128xi32, #tpu.memory_space<vmem>>
            %dma_start3A_370 = tpu.memref_squeeze %dma_start3A_369 : memref<1x20x8x128xi32, #tpu.memory_space<vmem>> -> memref<20x8x128xi32, #tpu.memory_space<vmem>>
            %dma_start3A_371 = arith.constant 0 : i32
            %dma_start3A_372 = tpu.memref_slice %arg2[%dma_start3A_371, %mul3A_357, %mul3A_20] : memref<20x50x1024xi32, #tpu.memory_space<hbm>> -> memref<20x8x128xi32, #tpu.memory_space<hbm>>
            tpu.enqueue_dma source(%dma_start3A_372 : memref<20x8x128xi32, #tpu.memory_space<hbm>>) target(%dma_start3A_370 : memref<20x8x128xi32, #tpu.memory_space<vmem>>) target_semaphore(%arg8 : memref<!tpu.dma_semaphore, #tpu.memory_space<semaphore_mem>>)
          } else {
          }
          %add3A_347 = arith.constant 2 : i32
          %add3A_348 = arith.addi %shift_right_arithmetic3A_298, %add3A_347 : i32
          %eq3A_349 = arith.constant 6 : i32
          %eq3A_350 = arith.cmpi eq, %add3A_348, %eq3A_349 : i32
          %convert_element_type3A_351 = arith.extui %eq3A_350 : i1 to i32
          %cond3A_352 = arith.constant 0 : i32
          %cond3A_353 = arith.cmpi ne, %convert_element_type3A_351, %cond3A_352 : i32
          scf.if %cond3A_353 {
            %dma_start3A_354 = arith.constant 0 : i32
            %dma_start3A_355 = arith.constant 0 : i32
            %dma_start3A_356 = arith.constant 0 : i32
            %dma_start3A_357 = arith.constant 0 : i32
            %dma_start3A_358 = tpu.memref_slice %arg6[%dma_start3A_354, %dma_start3A_355, %dma_start3A_356, %dma_start3A_357] : memref<2x20x8x128xi32, #tpu.memory_space<vmem>> -> memref<1x20x8x128xi32, #tpu.memory_space<vmem>>
            %dma_start3A_359 = tpu.memref_squeeze %dma_start3A_358 : memref<1x20x8x128xi32, #tpu.memory_space<vmem>> -> memref<20x8x128xi32, #tpu.memory_space<vmem>>
            %dma_start3A_360 = arith.constant 0 : i32
            %dma_start3A_361 = arith.constant 0 : i32
            %dma_start3A_362 = arith.constant 0 : i32
            %dma_start3A_363 = tpu.memref_slice %dma_start3A_359[%dma_start3A_360, %dma_start3A_361, %dma_start3A_362] : memref<20x8x128xi32, #tpu.memory_space<vmem>> -> memref<20x2x128xi32, #tpu.memory_space<vmem>>
            %dma_start3A_364 = arith.constant 0 : i32
            %dma_start3A_365 = arith.constant 48 : i32
            %dma_start3A_366 = tpu.memref_slice %arg2[%dma_start3A_364, %dma_start3A_365, %mul3A_20] : memref<20x50x1024xi32, #tpu.memory_space<hbm>> -> memref<20x2x128xi32, #tpu.memory_space<hbm>>
            %dma_start3A_367 = arith.constant 0 : i32
            %dma_start3A_368 = arith.constant 0 : i32
            %dma_start3A_369 = arith.constant 0 : i32
            %dma_start3A_370 = tpu.memref_slice %arg6[%dma_start3A_354, %dma_start3A_367, %dma_start3A_368, %dma_start3A_369] : memref<2x20x8x128xi32, #tpu.memory_space<vmem>> -> memref<1x20x8x128xi32, #tpu.memory_space<vmem>>
            %dma_start3A_371 = tpu.memref_squeeze %dma_start3A_370 : memref<1x20x8x128xi32, #tpu.memory_space<vmem>> -> memref<20x8x128xi32, #tpu.memory_space<vmem>>
            %dma_start3A_372 = arith.constant 0 : i32
            %dma_start3A_373 = arith.constant 0 : i32
            %dma_start3A_374 = arith.constant 0 : i32
            %dma_start3A_375 = tpu.memref_slice %dma_start3A_371[%dma_start3A_372, %dma_start3A_373, %dma_start3A_374] : memref<20x8x128xi32, #tpu.memory_space<vmem>> -> memref<20x2x128xi32, #tpu.memory_space<vmem>>
            %dma_start3A_376 = arith.constant 0 : i32
            %dma_start3A_377 = arith.constant 48 : i32
            %dma_start3A_378 = tpu.memref_slice %arg2[%dma_start3A_376, %dma_start3A_377, %mul3A_20] : memref<20x50x1024xi32, #tpu.memory_space<hbm>> -> memref<20x2x128xi32, #tpu.memory_space<hbm>>
            tpu.enqueue_dma source(%dma_start3A_378 : memref<20x2x128xi32, #tpu.memory_space<hbm>>) target(%dma_start3A_375 : memref<20x2x128xi32, #tpu.memory_space<vmem>>) target_semaphore(%arg8 : memref<!tpu.dma_semaphore, #tpu.memory_space<semaphore_mem>>)
          } else {
          }
        } else {
        }
        %eq3A_335 = arith.constant 1 : i32
        %eq3A_336 = arith.cmpi eq, %rem3A_300, %eq3A_335 : i32
        %convert_element_type3A_337 = arith.extui %eq3A_336 : i1 to i32
        %cond3A_338 = arith.constant 0 : i32
        %cond3A_339 = arith.cmpi ne, %convert_element_type3A_337, %cond3A_338 : i32
        scf.if %cond3A_339 {
          %add3A_340 = arith.constant 2 : i32
          %add3A_341 = arith.addi %shift_right_arithmetic3A_298, %add3A_340 : i32
          %lt3A_342 = arith.constant 6 : i32
          %lt3A_343 = arith.cmpi slt, %add3A_341, %lt3A_342 : i32
          %convert_element_type3A_344 = arith.extui %lt3A_343 : i1 to i32
          %cond3A_345 = arith.constant 0 : i32
          %cond3A_346 = arith.cmpi ne, %convert_element_type3A_344, %cond3A_345 : i32
          scf.if %cond3A_346 {
            %add3A_354 = arith.constant 2 : i32
            %add3A_355 = arith.addi %shift_right_arithmetic3A_298, %add3A_354 : i32
            %mul3A_356 = arith.constant 8 : i32
            %mul3A_357 = arith.muli %add3A_355, %mul3A_356 : i32
            %dma_start3A_358 = arith.constant 1 : i32
            %dma_start3A_359 = arith.constant 0 : i32
            %dma_start3A_360 = arith.constant 0 : i32
            %dma_start3A_361 = arith.constant 0 : i32
            %dma_start3A_362 = tpu.memref_slice %arg6[%dma_start3A_358, %dma_start3A_359, %dma_start3A_360, %dma_start3A_361] : memref<2x20x8x128xi32, #tpu.memory_space<vmem>> -> memref<1x20x8x128xi32, #tpu.memory_space<vmem>>
            %dma_start3A_363 = tpu.memref_squeeze %dma_start3A_362 : memref<1x20x8x128xi32, #tpu.memory_space<vmem>> -> memref<20x8x128xi32, #tpu.memory_space<vmem>>
            %dma_start3A_364 = arith.constant 0 : i32
            %dma_start3A_365 = tpu.memref_slice %arg2[%dma_start3A_364, %mul3A_357, %mul3A_20] : memref<20x50x1024xi32, #tpu.memory_space<hbm>> -> memref<20x8x128xi32, #tpu.memory_space<hbm>>
            %dma_start3A_366 = arith.constant 0 : i32
            %dma_start3A_367 = arith.constant 0 : i32
            %dma_start3A_368 = arith.constant 0 : i32
            %dma_start3A_369 = tpu.memref_slice %arg6[%dma_start3A_358, %dma_start3A_366, %dma_start3A_367, %dma_start3A_368] : memref<2x20x8x128xi32, #tpu.memory_space<vmem>> -> memref<1x20x8x128xi32, #tpu.memory_space<vmem>>
            %dma_start3A_370 = tpu.memref_squeeze %dma_start3A_369 : memref<1x20x8x128xi32, #tpu.memory_space<vmem>> -> memref<20x8x128xi32, #tpu.memory_space<vmem>>
            %dma_start3A_371 = arith.constant 0 : i32
            %dma_start3A_372 = tpu.memref_slice %arg2[%dma_start3A_371, %mul3A_357, %mul3A_20] : memref<20x50x1024xi32, #tpu.memory_space<hbm>> -> memref<20x8x128xi32, #tpu.memory_space<hbm>>
            tpu.enqueue_dma source(%dma_start3A_372 : memref<20x8x128xi32, #tpu.memory_space<hbm>>) target(%dma_start3A_370 : memref<20x8x128xi32, #tpu.memory_space<vmem>>) target_semaphore(%arg9 : memref<!tpu.dma_semaphore, #tpu.memory_space<semaphore_mem>>)
          } else {
          }
          %add3A_347 = arith.constant 2 : i32
          %add3A_348 = arith.addi %shift_right_arithmetic3A_298, %add3A_347 : i32
          %eq3A_349 = arith.constant 6 : i32
          %eq3A_350 = arith.cmpi eq, %add3A_348, %eq3A_349 : i32
          %convert_element_type3A_351 = arith.extui %eq3A_350 : i1 to i32
          %cond3A_352 = arith.constant 0 : i32
          %cond3A_353 = arith.cmpi ne, %convert_element_type3A_351, %cond3A_352 : i32
          scf.if %cond3A_353 {
            %dma_start3A_354 = arith.constant 1 : i32
            %dma_start3A_355 = arith.constant 0 : i32
            %dma_start3A_356 = arith.constant 0 : i32
            %dma_start3A_357 = arith.constant 0 : i32
            %dma_start3A_358 = tpu.memref_slice %arg6[%dma_start3A_354, %dma_start3A_355, %dma_start3A_356, %dma_start3A_357] : memref<2x20x8x128xi32, #tpu.memory_space<vmem>> -> memref<1x20x8x128xi32, #tpu.memory_space<vmem>>
            %dma_start3A_359 = tpu.memref_squeeze %dma_start3A_358 : memref<1x20x8x128xi32, #tpu.memory_space<vmem>> -> memref<20x8x128xi32, #tpu.memory_space<vmem>>
            %dma_start3A_360 = arith.constant 0 : i32
            %dma_start3A_361 = arith.constant 0 : i32
            %dma_start3A_362 = arith.constant 0 : i32
            %dma_start3A_363 = tpu.memref_slice %dma_start3A_359[%dma_start3A_360, %dma_start3A_361, %dma_start3A_362] : memref<20x8x128xi32, #tpu.memory_space<vmem>> -> memref<20x2x128xi32, #tpu.memory_space<vmem>>
            %dma_start3A_364 = arith.constant 0 : i32
            %dma_start3A_365 = arith.constant 48 : i32
            %dma_start3A_366 = tpu.memref_slice %arg2[%dma_start3A_364, %dma_start3A_365, %mul3A_20] : memref<20x50x1024xi32, #tpu.memory_space<hbm>> -> memref<20x2x128xi32, #tpu.memory_space<hbm>>
            %dma_start3A_367 = arith.constant 0 : i32
            %dma_start3A_368 = arith.constant 0 : i32
            %dma_start3A_369 = arith.constant 0 : i32
            %dma_start3A_370 = tpu.memref_slice %arg6[%dma_start3A_354, %dma_start3A_367, %dma_start3A_368, %dma_start3A_369] : memref<2x20x8x128xi32, #tpu.memory_space<vmem>> -> memref<1x20x8x128xi32, #tpu.memory_space<vmem>>
            %dma_start3A_371 = tpu.memref_squeeze %dma_start3A_370 : memref<1x20x8x128xi32, #tpu.memory_space<vmem>> -> memref<20x8x128xi32, #tpu.memory_space<vmem>>
            %dma_start3A_372 = arith.constant 0 : i32
            %dma_start3A_373 = arith.constant 0 : i32
            %dma_start3A_374 = arith.constant 0 : i32
            %dma_start3A_375 = tpu.memref_slice %dma_start3A_371[%dma_start3A_372, %dma_start3A_373, %dma_start3A_374] : memref<20x8x128xi32, #tpu.memory_space<vmem>> -> memref<20x2x128xi32, #tpu.memory_space<vmem>>
            %dma_start3A_376 = arith.constant 0 : i32
            %dma_start3A_377 = arith.constant 48 : i32
            %dma_start3A_378 = tpu.memref_slice %arg2[%dma_start3A_376, %dma_start3A_377, %mul3A_20] : memref<20x50x1024xi32, #tpu.memory_space<hbm>> -> memref<20x2x128xi32, #tpu.memory_space<hbm>>
            tpu.enqueue_dma source(%dma_start3A_378 : memref<20x2x128xi32, #tpu.memory_space<hbm>>) target(%dma_start3A_375 : memref<20x2x128xi32, #tpu.memory_space<vmem>>) target_semaphore(%arg9 : memref<!tpu.dma_semaphore, #tpu.memory_space<semaphore_mem>>)
          } else {
          }
        } else {
        }
      } else {
      }
    }
    %scan3A_267 = arith.constant 50 : i32
    %dma_wait3A = arith.constant 48 : i32
    %dma_wait3A_268 = arith.constant 0 : i32
    %dma_wait3A_269 = arith.constant 0 : i32
    %dma_wait3A_270 = tpu.memref_slice %arg7[%dma_wait3A_268, %dma_wait3A_269] : memref<64x640xf32, #tpu.memory_space<vmem>> -> memref<32x640xf32, #tpu.memory_space<vmem>>
    %dma_wait3A_271 = arith.constant 0 : i32
    %dma_wait3A_272 = tpu.memref_slice %arg4[%dma_wait3A, %mul3A_2, %dma_wait3A_271] : memref<50x1024x640xf32, #tpu.memory_space<hbm>> -> memref<1x32x640xf32, #tpu.memory_space<hbm>>
    %dma_wait3A_273 = tpu.memref_squeeze %dma_wait3A_272 : memref<1x32x640xf32, #tpu.memory_space<hbm>> -> memref<32x640xf32, #tpu.memory_space<hbm>>
    %dma_wait3A_274 = arith.constant 0 : i32
    %dma_wait3A_275 = tpu.memref_slice %arg4[%dma_wait3A, %mul3A_2, %dma_wait3A_274] : memref<50x1024x640xf32, #tpu.memory_space<hbm>> -> memref<1x32x640xf32, #tpu.memory_space<hbm>>
    %dma_wait3A_276 = tpu.memref_squeeze %dma_wait3A_275 : memref<1x32x640xf32, #tpu.memory_space<hbm>> -> memref<32x640xf32, #tpu.memory_space<hbm>>
    %dma_wait3A_277 = arith.constant 0 : i32
    %dma_wait3A_278 = arith.constant 0 : i32
    %dma_wait3A_279 = tpu.memref_slice %arg7[%dma_wait3A_277, %dma_wait3A_278] : memref<64x640xf32, #tpu.memory_space<vmem>> -> memref<32x640xf32, #tpu.memory_space<vmem>>
    tpu.wait_dma2 semaphore(%arg10 : memref<!tpu.dma_semaphore, #tpu.memory_space<semaphore_mem>>) src(%dma_wait3A_279 : memref<32x640xf32, #tpu.memory_space<vmem>>) dst(%dma_wait3A_276 : memref<32x640xf32, #tpu.memory_space<hbm>>)
    %dma_wait3A_280 = arith.constant 49 : i32
    %dma_wait3A_281 = arith.constant 32 : i32
    %dma_wait3A_282 = arith.constant 0 : i32
    %dma_wait3A_283 = tpu.memref_slice %arg7[%dma_wait3A_281, %dma_wait3A_282] : memref<64x640xf32, #tpu.memory_space<vmem>> -> memref<32x640xf32, #tpu.memory_space<vmem>>
    %dma_wait3A_284 = arith.constant 0 : i32
    %dma_wait3A_285 = tpu.memref_slice %arg4[%dma_wait3A_280, %mul3A_2, %dma_wait3A_284] : memref<50x1024x640xf32, #tpu.memory_space<hbm>> -> memref<1x32x640xf32, #tpu.memory_space<hbm>>
    %dma_wait3A_286 = tpu.memref_squeeze %dma_wait3A_285 : memref<1x32x640xf32, #tpu.memory_space<hbm>> -> memref<32x640xf32, #tpu.memory_space<hbm>>
    %dma_wait3A_287 = arith.constant 0 : i32
    %dma_wait3A_288 = tpu.memref_slice %arg4[%dma_wait3A_280, %mul3A_2, %dma_wait3A_287] : memref<50x1024x640xf32, #tpu.memory_space<hbm>> -> memref<1x32x640xf32, #tpu.memory_space<hbm>>
    %dma_wait3A_289 = tpu.memref_squeeze %dma_wait3A_288 : memref<1x32x640xf32, #tpu.memory_space<hbm>> -> memref<32x640xf32, #tpu.memory_space<hbm>>
    %dma_wait3A_290 = arith.constant 32 : i32
    %dma_wait3A_291 = arith.constant 0 : i32
    %dma_wait3A_292 = tpu.memref_slice %arg7[%dma_wait3A_290, %dma_wait3A_291] : memref<64x640xf32, #tpu.memory_space<vmem>> -> memref<32x640xf32, #tpu.memory_space<vmem>>
    tpu.wait_dma2 semaphore(%arg11 : memref<!tpu.dma_semaphore, #tpu.memory_space<semaphore_mem>>) src(%dma_wait3A_292 : memref<32x640xf32, #tpu.memory_space<vmem>>) dst(%dma_wait3A_289 : memref<32x640xf32, #tpu.memory_space<hbm>>)
    return
  }
}

</mosaic_0001>

<sc_bundles>
// kernel: kernel.3.cloned.1.call-start
scs
__scs_entry_jumppad:
0x0: {  	(pc) =	sbr.rel $0x88, $3  }
0x1: {  	(tag) =	ssettag $0x0;
	lr =	simm.s32 $0x1  }
0x2: {  	[smem:$0x3F9F] =	sst lr;
	_ =	strace $0xD0000000  }
0x3: {  	_ = 	snop  }
0x4: {  	_ = 	snop  }
0x5: {  	_ = 	snop  }
0x6: {  	_ = 	snop  }
0x7: {  	_ = 	snop  }
__scs_overlays_trampoline_lowered:
0x8: {  	[smem:$0x3FAE] =	sst s0  }
0x9: {  	[smem:$0x3FAF] =	sst s1  }
0xa: {  	[smem:$0x3FB0] =	sst s2  }
0xb: {  	[smem:$0x3FB1] =	sst s3  }
0xc: {  	[smem:$0x3FB2] =	sst s4  }
0xd: {  	[smem:$0x3FB3] =	sst s5  }
0xe: {  	[smem:$0x3FB4] =	sst s6  }
0xf: {  	[smem:$0x3FB5] =	sst s7  }
0x10: {  	[smem:$0x3FB6] =	sst s8  }
0x11: {  	[smem:$0x3FB7] =	sst s9;
	s0 =	simm.s32 @!p0 $0x0  }
0x12: {  	s1 =	sld [smem:$0x3F9D];
	s0 =	simm.s32 @p0 $0x1  }
0x13: {  	[smem:$0x3FB8] =	sst s0;
	s0 =	simm.s32 @!p1 $0x0  }
0x14: {  	s2 =	sld [smem:$0x3F9C];
	s0 =	simm.s32 @p1 $0x1  }
0x15: {  	[smem:$0x3FB9] =	sst s0;
	s0 =	simm.s32 @!p2 $0x0  }
0x16: {  	s3 =	sld [smem:$0x3FDB];
	s0 =	simm.s32 @p2 $0x1  }
0x17: {  	s4 =	simm.s32 $0x1BF5;
	[smem:$0x3FBB] =	sst s0  }
0x18: {  	s0 =	sld [smem:$0x3F9E];
	_ =	swait.ge [sflag:s4], $0x0  }
0x19: {  	s7 =	sld [smem:$0x3F9F]  }
0x1a: {  	s8 =	sadd.s32 $0xFFFFE003, lr  }
0x1b: {  	s9 =	sadd.s32 $0xFFFFFEF7, lr;
	s5 =	simm.s32 $0xFFFFFFFF;
	p2 =	slt.u32 s8, $0xFFFFF086  }
0x1c: {  	p1 =	slt.u32 s9, $0xF7A;
	s5 =	simm.s32 @!p2 $0x0  }
0x1d: {  	s5 =	simm.s32 @p1 $0x1;
	p0 =	seq.s32 s7, s2  }
0x1e: {  	s7 =	smul.u32 @!p0 $0xF7A, s2;
	p2 =	seq.s32 @!p0 s5, $0x0  }
0x1f: {  	s9 =	smul.u32 $0xF7A, s1;
	s8 =	simm.s32 @!p0 $0x1BF5;
	p2 =	por !p2, p0  }
0x20: {  	[sflag:s8] =	ssyncset.s32 @!p0 $0xFFFFF086;
	s6 =	sadd.s32 @!p0 s3, s7;
	s7 =	simm.s32 @!p0 $0x108  }
0x21: {  	s3 =	sadd.s32 s3, s9;
	s6 =	sadd.s32 @!p0 $0x88, s6;
	s7 =	simm.s32 @p2 $0x1082  }
0x22: {  	[simem:s7], [sflag:s8] =	dma.local @!p0 [hbm:s6], $0xF7A  }
0x23: {  	s9 =	sor.u32 $0xD0000000, s2;
	s6 =	simm.s32 $0x108;
	_ =	swait.ge @!p0 [sflag:s8], $0x0  }
0x24: {  	s3 =	sadd.s32 $0x88, s3;
	s6 =	simm.s32 @!p1 $0x1082;
	[sflag:s4] =	ssyncset.s32 $0xFFFFF086  }
0x25: {  	[simem:s6], [sflag:s4] =	dma.local [hbm:s3], $0xF7A  }
0x26: {  	[smem:$0x3F9F] =	sst s1;
	(tag) =	ssettag s2;
	_ =	strace s9  }
0x27: {  	s1 =	sld [smem:$0x3FAF]  }
0x28: {  	s2 =	sld [smem:$0x3FB0]  }
0x29: {  	s4 =	sld [smem:$0x3FB2]  }
0x2a: {  	p0 =	seq.s32 s5, $0x0;
	s5 =	sld [smem:$0x3FB3]  }
0x2b: {  	s6 =	sld [smem:$0x3FB4]  }
0x2c: {  	s7 =	sld [smem:$0x3FB5]  }
0x2d: {  	s3 =	simm.s32 $0x108;
	s8 =	sld [smem:$0x3FB6]  }
0x2e: {  	s3 =	simm.s32 @!p0 $0x1082;
	s9 =	sld [smem:$0x3FB7]  }
0x2f: {  	lr =	sadd.s32 s0, s3;
	s0 =	sld [smem:$0x3FAE]  }
0x30: {  	s3 =	sld [smem:$0x3FB1]  }
0x31: {  	[smem:$0x3FBA] =	sst s10  }
0x32: {  	s10 =	sld [smem:$0x3FB8];
	_ =	sdelay $0x3  }
0x33: {  	p0 =	seq.s32 s10, $0x1;
	s10 =	sld [smem:$0x3FBA];
	_ =	sdelay $0x3  }
0x34: {  	[smem:$0x3FBA] =	sst s10  }
0x35: {  	s10 =	sld [smem:$0x3FB9];
	_ =	sdelay $0x3  }
0x36: {  	p1 =	seq.s32 s10, $0x1;
	s10 =	sld [smem:$0x3FBA];
	_ =	sdelay $0x3  }
0x37: {  	[smem:$0x3FBA] =	sst s10  }
0x38: {  	s10 =	sld [smem:$0x3FBB]  }
0x39: {  	_ = 	snop;
	(pc) =	sbr.ind lr, $3  }
0x3a: {  	_ = 	snop  }
0x3b: {  	_ = 	snop  }
0x3c: {  	p2 =	seq.s32 s10, $0x1;
	s10 =	sld [smem:$0x3FBA]  }
0x3d: {  	_ =	shalt  }
0x3e: {  	_ =	shalt  }
0x3f: {  	_ =	shalt  }
0x40: {  	_ =	shalt  }
0x41: {  	_ =	shalt  }
0x42: {  	_ =	shalt  }
0x43: {  	_ =	shalt  }
0x44: {  	_ =	shalt  }
0x45: {  	_ =	shalt  }
0x46: {  	_ =	shalt  }
0x47: {  	_ =	shalt  }
0x48: {  	_ =	shalt  }
0x49: {  	_ =	shalt  }
0x4a: {  	_ =	shalt  }
0x4b: {  	_ =	shalt  }
0x4c: {  	_ =	shalt  }
0x4d: {  	_ =	shalt  }
0x4e: {  	_ =	shalt  }
0x4f: {  	_ =	shalt  }
0x50: {  	_ =	shalt  }
0x51: {  	_ =	shalt  }
0x52: {  	_ =	shalt  }
0x53: {  	_ =	shalt  }
0x54: {  	_ =	shalt  }
0x55: {  	_ =	shalt  }
0x56: {  	_ =	shalt  }
0x57: {  	_ =	shalt  }
0x58: {  	_ =	shalt  }
0x59: {  	_ =	shalt  }
0x5a: {  	_ =	shalt  }
0x5b: {  	_ =	shalt  }
0x5c: {  	_ =	shalt  }
0x5d: {  	_ =	shalt  }
0x5e: {  	_ =	shalt  }
0x5f: {  	_ =	shalt  }
0x60: {  	_ =	shalt  }
0x61: {  	_ =	shalt  }
0x62: {  	_ =	shalt  }
0x63: {  	_ =	shalt  }
0x64: {  	_ =	shalt  }
0x65: {  	_ =	shalt  }
0x66: {  	_ =	shalt  }
0x67: {  	_ =	shalt  }
0x68: {  	_ =	shalt  }
0x69: {  	_ =	shalt  }
0x6a: {  	_ =	shalt  }
0x6b: {  	_ =	shalt  }
0x6c: {  	_ =	shalt  }
0x6d: {  	_ =	shalt  }
0x6e: {  	_ =	shalt  }
0x6f: {  	_ =	shalt  }
0x70: {  	_ =	shalt  }
0x71: {  	_ =	shalt  }
0x72: {  	_ =	shalt  }
0x73: {  	_ =	shalt  }
0x74: {  	_ =	shalt  }
0x75: {  	_ =	shalt  }
0x76: {  	_ =	shalt  }
0x77: {  	_ =	shalt  }
0x78: {  	_ =	shalt  }
0x79: {  	_ =	shalt  }
0x7a: {  	_ =	shalt  }
0x7b: {  	_ =	shalt  }
0x7c: {  	_ =	shalt  }
0x7d: {  	_ =	shalt  }
0x7e: {  	_ =	shalt  }
0x7f: {  	_ =	shalt  }
0x80: {  	_ =	shalt  }
0x81: {  	_ =	shalt  }
0x82: {  	_ =	shalt  }
0x83: {  	_ =	shalt  }
0x84: {  	_ =	shalt  }
0x85: {  	_ =	shalt  }
0x86: {  	_ =	shalt  }
0x87: {  	_ =	shalt  }
.Lfunc_end0:
.L_simem_size_0:
called_computation_lowered:
.L_overlay_start_0:
0x88: {  	s2 =	sld [smem:$0x3FD9]  }
0x89: {  	s3 =	sld [smem:$0x3FFE];
	_ =	sdelay $0x1  }
0x8a: {  	s1 =	srdreg.scid  }
0x8b: {  	s0 =	sand.u32 $0x1, s1  }
0x8c: {  	s17 =	sshll.u32 s0, $0xA;
	s2 =	sadd.s32 s3, s2  }
0x8d: {  	s2 =	sadd.s32 s2, s17  }
0x8e: {  	[smem:$0x3FC6] =	sst s2  }
0x8f: {  	_ = 	snop  }
0x90: {  	s2 =	sld [smem:$0x3FC9]  }
0x91: {  	s18 =	sld [smem:$0x3FD0];
	(tm) =	ssettm $0x1  }
0x92: {  	s4 =	sld [smem:$0x3FFB];
	_ =	sdelay $0x3  }
0x93: {  	_ =	strace s4  }
0x94: {  	s4 =	sld [smem:$0x3FFC];
	_ =	sdelay $0x3  }
0x95: {  	_ =	strace s4  }
0x96: {  	s4 =	sld [smem:$0x3FFD];
	_ =	sdelay $0x3  }
0x97: {  	_ =	strace s4  }
0x98: {  	_ =	strace $0x8FFFFFFF  }
0x99: {  	s19 =	sld [smem:$0x3FDB];
	_ =	sdelay $0x1  }
0x9a: {  	s5 =	simm.s32 $_scs_section_size  }
0x9b: {  	s6 =	simm.s32 $_size__tile_overlayer_lowered;
	s7 =	simm.s32 $_tile_overlayer_lowered  }
0x9c: {  	s22 =	simm.s32 $0x1BFF;
	s21 =	sshll.u32 s7, $0x1;
	s4 =	sadd.s32 s5, s19  }
0x9d: {  	s8 =	simm.s32 $0x0;
	s20 =	sshll.u32 s6, $0x1;
	s6 =	sadd.s32 s21, s4  }
0x9e: {  	[timem:s8], [sflag:s22] =	dma.local [hbm:s6], s20  }
0x9f: {  	_ =	swait.ge [sflag:s22], s20  }
0xa0: {  	s5 =	ssub.s32 $0x0, s20;
	[sflag:s22] =	ssyncset.done $0x0  }
0xa1: {  	[sflag:s22] =	ssyncadd.s32 s5;
	_ =	sdelay $0x1  }
0xa2: {  	s23 =	simm.s32 $0x1B8B  }
0xa3: {  	_ =	swait.ge [sflag:s23], $0x1  }
0xa4: {  	[sflag:s23] =	ssyncset.done $0x0  }
0xa5: {  	s25 =	simm.s32 $0x1B8E;
	s24 =	sld [smem:$0x3FFE];
	[sflag:s23] =	ssyncadd.s32 $0xFFFFFFFF  }
0xa6: {  	s26 =	simm.s32 $execute0_lowered;
	[smem:$0x3FD2] =	sst s25  }
0xa7: {  	s6 =	sshll.u32 s26, $0x1;
	_ =	strace $0x80000046;
	[dreg:$0x1] =	wrdreg $0xFFFFFFFF  }
0xa8: {  	s28 =	simm.s32 $_size_execute0_lowered;
	s4 =	sadd.s32 s4, s6;
	[dreg:$0x0] =	wrdreg $0x0  }
0xa9: {  	s6 =	sshll.u32 s28, $0x1;
	[dreg:$0x2] =	wrdreg s4  }
0xaa: {  	[dreg:$0x3] =	wrdreg s6  }
0xab: {  	[dreg:$0x4] =	wrdreg $0xC0  }
0xac: {  	_ =	task [dreg:s8], $0x5FFFF  }
0xad: {  	[dreg:$0x1] =	wrdreg $0xFFFFFFFF  }
0xae: {  	[dreg:$0x0] =	wrdreg $0x60  }
0xaf: {  	[dreg:$0x2] =	wrdreg s2  }
0xb0: {  	[dreg:$0x3] =	wrdreg s24  }
0xb1: {  	[dreg:$0x4] =	wrdreg s18  }
0xb2: {  	[dreg:$0x5] =	wrdreg $0x9  }
0xb3: {  	_ =	task.clear_ibuf [dreg:s8], $0x6FFFF;
	_ =	strace $0x90000046  }
0xb4: {  	s29 =	simm.s32 $0x9;
	_ =	strace $0x80000048  }
0xb5: {  	_ =	swait.ge [sflag:s29], $0x1  }
0xb6: {  	[sflag:s29] =	ssyncadd.s32 $0xFFFFFFFF  }
0xb7: {  	_ =	strace $0x90000048  }
0xb8: {  	_ =	sfence  }
0xb9: {  	s30 =	sld [smem:$0x0];
	_ =	sdelay $0x2  }
0xba: {  	s31 =	sshll.u32 s1, $0xD;
	s1 =	sshrl.u32 s1, $0x2  }
0xbb: {  	s3 =	sand.u32 $0x4000, s31;
	s1 =	sadd.s32 s1, s30  }
0xbc: {  	s0 =	sor.u32 s3, s0;
	s1 =	sshll.u32 s1, $0x11  }
0xbd: {  	s0 =	sor.u32 s1, s0  }
0xbe: {  	s0 =	sadd.s32 $0x8F2B, s0  }
0xbf: {  	[sflag:s0] =	ssyncadd.remote.s32 $0x1  }
0xc0: {  	_ =	sfence.sel $0xFFFF  }
0xc1: {  	[dreg:$0x0] =	wrdreg $0xFFFFFFFF;
	(pc) =	sbr.abs _section_cstart, $3  }
0xc2: {  	[dreg:$0x1] =	wrdreg $0xFFFFFFFF  }
0xc3: {  	_ =	task.clear_ibuf [dreg:s8], $0x2FFFF;
	_ =	strace $0x9FFFFFFF  }
0xc4: {  	(tm) =	ssettm $0x7FFFFFFF  }
0xc5: {  	_ =	shalt  }
tec
execute0_lowered:
.L_overlay_start_1:
0x0: {  	(tag) =	ssettag $0x1  }
0x1: {  	v31 =	vlaneseq.u32;
	v56 =	vimm.s32 $0x14131211;
	v1 =	vimm.s32 $0x18171615  }
0x2: {  	v2 =	vimm.s32 $0x1C1B1A19;
	v3 =	vimm.s32 $0x1F1E1D;
	v4 =	vimm.s32 $0x15141312  }
0x3: {  	v5 =	vimm.s32 $0x19181716;
	vm0 =	vcmask $0x1F10;
	v7 =	vimm.s32 $0x1D1C1B1A  }
0x4: {  	v60 =	vimm.s32 $0x1001F1E;
	v8 =	vimm.s32 $0x16151413;
	v9 =	vimm.s32 $0x1A191817  }
0x5: {  	v10 =	vimm.s32 $0x1E1D1C1B;
	v11 =	vimm.s32 $0x201001F;
	v12 =	vimm.s32 $0x3020100  }
0x6: {  	v13 =	vimm.s32 $0x1F1E1D1C;
	v14 =	vimm.s32 $0x17161514;
	v15 =	vimm.s32 $0x1B1A1918  }
0x7: {  	v18 =	vimm.s32 $0x4030201;
	v36 =	vimm.s32 $0x87654321;
	v37 =	vimm.s32 $0x98765432  }
0x8: {  	v42 =	vimm.s32 $0xA9876543;
	v46 =	vimm.s32 $0x32107654;
	vm15 =	vcmask $0x2F10  }
0x9: {  	vm1 =	vcmask $0x3F30;
	v0 =	vand.u32 $0x7, v31;
	v40 =	vadd.s32 $0x3, v31  }
0xa: {  	v35 =	vadd.s32 $0x4, v31;
	v53 =	vadd.s32 $0x5, v31;
	v54 =	vadd.s32 $0x6, v31  }
0xb: {  	v43 =	vadd.s32 $0x7, v31;
	v59 =	vadd.s32 $0xA, v31;
	v26 =	vadd.s32 $0xB, v31  }
0xc: {  	v28 =	vadd.s32 $0xC, v31;
	v39 =	vadd.s32 $0xD, v31;
	v55 =	vadd.s32 $0xE, v31  }
0xd: {  	v50 =	vadd.s32 $0xF, v31;
	v1 =	vunpack.c.0.s8.s32 v1;
	v2 =	vunpack.c.0.s8.s32 v2  }
0xe: {  	v3 =	vunpack.c.0.s8.s32 v3;
	v4 =	vunpack.c.0.s8.s32 v4;
	v5 =	vunpack.c.0.s8.s32 v5  }
0xf: {  	v58 =	vunpack.c.0.s8.s32 v7;
	v7 =	vunpack.c.0.s8.s32 v60;
	v0 =	vmul.u32 $0x80, v0  }
0x10: {  	v8 =	vunpack.c.0.s8.s32 v8;
	v9 =	vunpack.c.0.s8.s32 v9;
	v10 =	vunpack.c.0.s8.s32 v10  }
0x11: {  	s1 =	srdreg.scid;
	s0 =	stileid.u32;
	v11 =	vunpack.c.0.s8.s32 v11;
	v12 =	vunpack.c.0.s8.s32 v12;
	[tilespmem:$0x1FE30] =	vst v0;
	v0 =	vunpack.c.0.s8.s32 v56  }
0x12: {  	s6 =	sand.u32 $0x1, s1;
	s31 =	sshll.u32 s0, $0x1;
	v13 =	vunpack.c.0.s8.s32 v13;
	v14 =	vunpack.c.0.s8.s32 v14;
	v15 =	vunpack.c.0.s8.s32 v15  }
0x13: {  	v41 =	vunpack.c.l.s4.s8 v37;
	s2 =	sor.u32 s6, s31;
	[tilespmem:$0x1FE40] =	vst v53;
	v6 =	vsel vm0, v3, v2;
	v0 =	vsel vm0, v1, v0  }
0x14: {  	s7 =	rddreg [dreg:$0x1];
	v48 =	vunpack.c.l.s4.s8 v46;
	[tilespmem:$0x1FE50] =	vst v54;
	s1 =	sshll.u32 s2, $0x5;
	v57 =	vsel vm0, v5, v4;
	v0 =	vcombine.low v0, v6  }
0x15: {  	s3 =	rddreg [dreg:$0x2];
	s4 =	simm.s32 $0x0;
	[tilespmem:$0x1FE60] =	vst v55;
	v8 =	vsel vm0, v9, v8;
	v12 =	vsel vm0, v12, v13;
	v14 =	vsel vm0, v15, v14;
	s1 =	sand.u32 $0x60, s1  }
0x16: {  	[smem:$0x7FF] =	sst s4;
	v17 =	vsel vm0, v11, v10;
	v55 =	vcombine.low v14, v12;
	v29 =	vmov s1;
	s1 =	sor.u32 $0x10, s1;
	[tilespmem:$0x1FE70] =	vst v0  }
0x17: {  	v12 =	vunpack.c.0.s8.s32 v18;
	v14 =	vimm.s32 $0x5040302;
	v30 =	vmov s1;
	s1 =	rddreg [dreg:$0x0];
	_ =	strace $0x80000047;
	[tilespmem:$0x1FE80] =	vst v43  }
0x18: {  	v16 =	vsel vm0, v7, v58;
	v53 =	vcombine.low v8, v17;
	v61 =	vunpack.c.0.s8.s32 v14;
	[tilespmem:$0x1FE90] =	vst v50  }
0x19: {  	v20 =	vcombine.low v57, v16;
	v1 =	vsel vm0, v2, v1;
	v63 =	vsel vm0, v12, v3;
	[tilespmem:$0x1FEA0] =	vst v55  }
0x1a: {  	v4 =	vsel vm0, v58, v5;
	v2 =	vsel vm0, v61, v7;
	v45 =	vcombine.low v1, v63;
	[tilespmem:$0x1FEB0] =	vst v53  }
0x1b: {  	v54 =	vimm.s32 $0x43218765;
	v9 =	vsel vm0, v10, v9;
	v23 =	vcombine.low v4, v2;
	[tilespmem:$0x1FF00] =	vst v20  }
0x1c: {  	v10 =	vimm.s32 $0x76543210;
	v38 =	vsel vm0, v13, v15;
	v5 =	vunpack.c.l.s4.s8 v42;
	[tilespmem:$0x1FF10] =	vst v45  }
0x1d: {  	v52 =	vunpack.c.0.s8.s32 v48;
	v58 =	vimm.s32 $0xB0A0908;
	v57 =	vimm.s32 $0x6543A987;
	[tilespmem:$0x1FF20] =	vst v23  }
0x1e: {  	v14 =	vimm.s32 $0x6050403;
	v51 =	vunpack.c.0.s8.s32 v5;
	v5 =	vunpack.c.l.s4.s8 v57;
	[tilespmem:$0x1FF70] =	vst v59  }
0x1f: {  	v56 =	vimm.s32 $0x54329876;
	v62 =	vunpack.c.0.s8.s32 v14;
	v1 =	vunpack.c.0.s8.s32 v41;
	[tilespmem:$0x1FF80] =	vst v26  }
0x20: {  	v5 =	vunpack.c.0.s8.s32 v5;
	v63 =	vimm.s32 $0xE0D0C0B;
	v2 =	vunpack.c.l.s4.s8 v10;
	[tilespmem:$0x1FFB0] =	vst v29  }
0x21: {  	v4 =	vunpack.c.l.s4.s8 v36;
	v8 =	vunpack.c.0.s8.s32 v63;
	v0 =	vsel vm0, v62, v11;
	[tilespmem:$0x1FFC0] =	vst v39  }
0x22: {  	v49 =	vand.u32 $0xF, v1;
	v1 =	vand.u32 $0xF, v51;
	v5 =	vand.u32 $0xF, v5;
	[tilespmem:$0x1FFD0] =	vst v28  }
0x23: {  	v21 =	vcombine.low v9, v0;
	v2 =	vunpack.c.0.s8.s32 v2;
	v4 =	vunpack.c.0.s8.s32 v4;
	[tilespmem:$0x1FFE0] =	vst v40  }
0x24: {  	v19 =	vcombine.low v16, v49;
	v0 =	vand.u32 $0xF, v52;
	v52 =	vor.u32 $0x10, v31;
	[tilespmem:$0x1FFF0] =	vst v35  }
0x25: {  	v5 =	vsel vm15, v5, v11;
	v48 =	vcombine.low v17, v1;
	[tilespmem:$0x1FF50] =	vst v52;
	v42 =	vcombine.low v38, v2  }
0x26: {  	v47 =	vand.u32 $0xF, v4;
	v2 =	vunpack.c.l.s4.s8 v54;
	v4 =	vunpack.c.l.s4.s8 v56;
	[tilespmem:$0x1FEE0] =	vst v19  }
0x27: {  	s13 =	simm.s32 $0x400;
	s14 =	simm.s32 $0xE000;
	s15 =	simm.s32 $0xD00;
	v0 =	vsel vm15, v0, v13;
	[tilespmem:$0x1FEF0] =	vst v21;
	v18 =	vcombine.low v6, v47;
	v6 =	vunpack.c.0.s8.s32 v58  }
0x28: {  	s16 =	simm.s32 $0x5D00;
	s17 =	simm.s32 $0x5;
	s20 =	simm.s32 $0xAD00;
	v15 =	vsel vm1, v8, v5;
	[tilespmem:$0x1FF40] =	vst v48;
	v2 =	vunpack.c.0.s8.s32 v2;
	v4 =	vunpack.c.0.s8.s32 v4  }
0x29: {  	s18 =	simm.s32 $0x2;
	s19 =	simm.s32 $0x4;
	s21 =	simm.s32 $0x3;
	v61 =	vimm.s32 $0xC0B0A09;
	v62 =	vimm.s32 $0xD0C0B0A;
	[tilespmem:$0x1FF90] =	vst v15;
	v54 =	vsel vm1, v6, v0  }
.Ltmp0:
0x2a: {  	s5 =	sshll.u32 s0, $0x9;
	s9 =	ssub.s32 $0x2, s6;
	[tilespmem:$0x1FFA0] =	vst v42;
	v2 =	vand.u32 $0xF, v2;
	v60 =	vand.u32 $0xF, v4;
	v4 =	vunpack.c.0.s8.s32 v61;
	(pc) =	sbr.rel .LBB2_1-.Ltmp0, $4  }
0x2b: {  	s22 =	simm.s32 $0x0;
	s5 =	sand.u32 $0x1C00, s5;
	s10 =	sshrl.u32 s9, $0x1;
	[tilespmem:$0x1FED0] =	vst v18;
	v2 =	vsel vm15, v2, v3;
	v3 =	vsel vm15, v60, v7;
	v7 =	vunpack.c.0.s8.s32 v62  }
0x2c: {  	s7 =	sadd.s32 $0x400, s7;
	s8 =	sshrl.u32 s5, $0x3;
	s12 =	ssub.s32 s9, s10;
	[tilespmem:$0x1FF60] =	vst v54;
	v47 =	vsel vm1, v4, v2  }
0x2d: {  	v34 =	vadd.s32 $0x1, v31;
	s9 =	sor.u32 $0x4000, s5;
	s10 =	smul.u32 $0x5000, s2;
	s6 =	sadd.s32 s1, s8;
	v17 =	vsel vm1, v7, v3;
	[tilespmem:$0x1FF30] =	vst v47  }
0x2e: {  	v44 =	vadd.s32 $0x2, v31;
	v32 =	vadd.s32 $0x8, v31;
	v33 =	vadd.s32 $0x9, v31;
	s12 =	smax.u32 s12, $0x1;
	s8 =	sadd.s32 $0x400, s6;
	s11 =	sadd.s32 $0x1800, s6;
	[tilespmem:$0x1FEC0] =	vst v17  }
.LBB2_18:
0x2f: {  	s22 =	sadd.s32 $0x1, s22  }
0x30: {  	_ =	swait.ge [sflag:s21], $0x5000;
	p0 =	sne.s32 s22, s12  }
.Ltmp1:
0x31: {  	[sflag:s21] =	ssyncset.done $0x0;
	(pc) =	sbr.rel @!p0 .LBB2_19-.Ltmp1, $4  }
0x32: {  	[sflag:s21] =	ssyncadd.s32 $0xFFFFB000  }
0x33: {  	_ =	swait.ge [sflag:s19], $0x5000  }
0x34: {  	[sflag:s19] =	ssyncset.done $0x0  }
0x35: {  	[sflag:s19] =	ssyncadd.s32 $0xFFFFB000  }
.LBB2_1:
0x36: {  	[tilespmem:s15], [sflag:$0x1] =	stream.strided.gather [hbm4b:s6+s13], $0x5000, s14, s13, $0x38;
	[tilespmem:$0x14D00] =	vst v63  }
0x37: {  	_ = 	snop  }
0x38: {  	[tilespmem:s16], [sflag:$0x2] =	stream.strided.gather [hbm4b:s8+s13], $0x5000, s14, s13, $0x38;
	[tilespmem:$0x14D00] =	vst v63  }
.Ltmp2:
0x39: {  	_ = 	snop;
	(pc) =	sbr.rel .LBB2_2-.Ltmp2, $4  }
0x3a: {  	[tilespmem:s4], [sflag:$0x5] =	stream.linear.gather [hbm4b:s7+s4], $0xD00, $0x38;
	[tilespmem:$0x14D00] =	vst v63  }
0x3b: {  	_ =	swait.ge [sflag:s17], $0xD00  }
0x3c: {  	[sflag:s17] =	ssyncset.done $0x0  }
0x3d: {  	s23 =	simm.s32 $0x0;
	[sflag:s17] =	ssyncadd.s32 $0xFFFFF300  }
.LBB2_16:
0x3e: {  	s0 =	sshll.u32 @!p0 s24, $0xD  }
0x3f: {  	s0 =	sadd.s32 @!p0 s9, s0  }
0x40: {  	s2 =	simm.s32 @!p0 $0x400;
	s0 =	sshrl.u32 @!p0 s0, $0x3  }
0x41: {  	s24 =	simm.s32 @!p0 $0xE000;
	s25 =	simm.s32 @!p0 $0x5D00;
	s0 =	sadd.s32 @!p0 s1, s0  }
0x42: {  	[tilespmem:s25], [sflag:$0x2] =	stream.strided.gather @!p0 [hbm4b:s0+s2], $0x5000, s24, s2, $0x38;
	[tilespmem:$0x14D00] =	vst v63  }
.LBB2_17:
0x43: {  	s23 =	sadd.s32 $0x1, s23  }
0x44: {  	p0 =	sne.s32 s23, $0x32  }
.Ltmp3:
0x45: {  	_ = 	snop;
	(pc) =	sbr.rel @!p0 .LBB2_18-.Ltmp3, $1  }
0x46: {  	_ =	sdelay $0x3  }
.LBB2_2:
0x47: {  	s26 =	sand.u32 $0x7, s23  }
0x48: {  	p0 =	sne.s32 s26, $0x0  }
.Ltmp4:
0x49: {  	_ = 	snop;
	(pc) =	sbr.rel @p0 .LBB2_7-.Ltmp4, $3  }
0x4a: {  	_ =	sdelay $0x1  }
0x4b: {  	s24 =	sshrl.u32 s23, $0x3  }
0x4c: {  	s25 =	sand.u32 $0x1, s24  }
0x4d: {  	p1 =	seq.s32 s25, $0x1  }
.Ltmp5:
0x4e: {  	_ = 	snop;
	(pc) =	sbr.rel @!p1 .LBB2_4-.Ltmp5, $2  }
0x4f: {  	_ =	sdelay $0x2  }
0x50: {  	p0 =	sgt.u32 s23, $0x2F  }
.Ltmp6:
0x51: {  	(pc) =	sbr.rel @p0 .LBB2_8-.Ltmp6, $1  }
0x52: {  	_ =	sdelay $0x3  }
.Ltmp7:
0x53: {  	(pc) =	sbr.rel .LBB2_7-.Ltmp7, $4  }
0x54: {  	_ = 	snop  }
0x55: {  	_ =	swait.ge [sflag:s18], $0x5000  }
0x56: {  	[sflag:s18] =	ssyncset.done $0x0  }
0x57: {  	[sflag:s18] =	ssyncadd.s32 $0xFFFFB000  }
.LBB2_4:
0x58: {  	s2 =	simm.s32 @!p0 $0x1  }
0x59: {  	_ =	swait.ge @!p0 [sflag:s2], $0x5000  }
0x5a: {  	p1 =	sne.s32 s24, $0x6;
	[sflag:s2] =	ssyncset.done @!p0 $0x0  }
0x5b: {  	[sflag:s2] =	ssyncadd.s32 @!p0 $0xFFFFB000;
	s2 =	simm.s32 @!p1 $0x1  }
0x5c: {  	_ =	swait.ge @!p1 [sflag:s2], $0x1400  }
0x5d: {  	[sflag:s2] =	ssyncset.done @!p1 $0x0  }
0x5e: {  	[sflag:s2] =	ssyncadd.s32 @!p1 $0xFFFFEC00  }
.LBB2_7:
0x5f: {  	p0 =	slt.u32 s23, $0x2  }
.Ltmp8:
0x60: {  	_ = 	snop;
	(pc) =	sbr.rel @p0 .LBB2_9-.Ltmp8, $1  }
0x61: {  	_ =	sdelay $0x3  }
.LBB2_8:
0x62: {  	s2 =	sand.u32 $0x1, s23  }
0x63: {  	p0 =	seq.s32 s2, $0x1;
	s2 =	simm.s32 $0x4  }
0x64: {  	s2 =	simm.s32 @!p0 $0x3  }
0x65: {  	_ =	swait.ge [sflag:s2], $0x5000  }
0x66: {  	[sflag:s2] =	ssyncset.done $0x0  }
0x67: {  	[sflag:s2] =	ssyncadd.s32 $0xFFFFB000  }
.LBB2_9:
0x68: {  	v0 =	vmov s25  }
0x69: {  	v0 =	vmul.u32 $0x5000, v0  }
0x6a: {  	s2 =	sshll.u32 s26, $0x7  }
0x6b: {  	s0 =	simm.s32 $0x0;
	v8 =	vor.u32 s2, v0  }
0x6c: {  	v0 =	vadd.s32 s0, v8  }
0x6d: {  	v1 =	vor.u32 v29, v0  }
0x6e: {  	v1 =	vbroadcast v1, $0x0;
	_ =	sdelay $0x1  }
0x6f: {  	v0 =	vor.u32 v30, v0;
	v1 =	vor.u32 v31, v1  }
0x70: {  	v0 =	vbroadcast v0, $0x0;
	_ =	sdelay $0x1  }
0x71: {  	v0 =	vor.u32 v31, v0;
	_ =	sdelay $0x1  }
0x72: {  	v1 =	vld.idx.msk [tilespmem:v1+s15+$0x0], $0xffff  }
0x73: {  	s0 =	sshll.u32 s23, $0x5  }
0x74: {  	v7 =	vld [tilespmem:$0x1FE30];
	s2 =	sand.u32 $0x20, s0  }
0x75: {  	v2 =	vor.u32 s2, v31;
	v0 =	vld.idx.msk [tilespmem:v0+s15+$0x0], $0xffff  }
0x76: {  	v2 =	vshrl.u32 v2, $0x3  }
0x77: {  	v2 =	vmul.u32 $0x1400, v2;
	v3 =	vshll.u32 v1, $0x5  }
0x78: {  	s29 =	simm.s32 $0x0;
	v1 =	vor.u32 v31, v3  }
0x79: {  	v4 =	vmov s29;
	v5 =	vor.u32 s29, v31;
	s2 =	sor.u32 $0x10, s2;
	v58 =	vor.u32 v7, v2  }
0x7a: {  	v2 =	vor.u32 s2, v31;
	v46 =	vshll.u32 v0, $0x5;
	v0 =	vshll.u32 v4, $0x3  }
0x7b: {  	v5 =	vand.u32 $0x6F, v5;
	v2 =	vshrl.u32 v2, $0x3;
	v0 =	vand.u32 $0x1C00, v0  }
0x7c: {  	v2 =	vmul.u32 $0x1400, v2;
	v4 =	vor.u32 v31, v46;
	v60 =	vadd.s32 v58, v0  }
0x7d: {  	v6 =	vor.u32 v5, v60;
	v1 =	vld.idx.msk [tilespmem:v1+s4+$0x0], $0xffff  }
0x7e: {  	v61 =	vor.u32 v7, v2;
	v2 =	vor.u32 v34, v3;
	_ =	sdelay $0x1  }
0x7f: {  	v24 =	vadd.s32 v61, v0  }
0x80: {  	v7 =	vor.u32 s29, v34;
	v0 =	vld.idx.msk [tilespmem:v4+s4+$0x0], $0xffff;
	v4 =	vor.u32 v5, v24  }
0x81: {  	v5 =	vor.u32 v34, v46;
	[tilespmem:v6+s20+$0x0] =	vst.idx.msk $0xffff, v1;
	v1 =	vand.u32 $0x7F, v7  }
0x82: {  	v2 =	vld.idx.msk [tilespmem:v2+s4+$0x0], $0xffff;
	v6 =	vor.u32 v1, v60  }
0x83: {  	v7 =	vor.u32 v44, v3;
	_ =	sdelay $0x1  }
0x84: {  	[tilespmem:v4+s20+$0x0] =	vst.idx.msk $0xffff, v0  }
0x85: {  	v0 =	vld.idx.msk [tilespmem:v5+s4+$0x0], $0xffff;
	v1 =	vor.u32 v1, v24;
	v5 =	vor.u32 s29, v44  }
0x86: {  	v4 =	vor.u32 v44, v46;
	[tilespmem:v6+s20+$0x0] =	vst.idx.msk $0xffff, v2;
	v2 =	vand.u32 $0x7F, v5  }
0x87: {  	v5 =	vld.idx.msk [tilespmem:v7+s4+$0x0], $0xffff;
	v6 =	vor.u32 v2, v60  }
0x88: {  	v7 =	vor.u32 v40, v3;
	_ =	sdelay $0x1  }
0x89: {  	[tilespmem:v1+s20+$0x0] =	vst.idx.msk $0xffff, v0  }
0x8a: {  	v0 =	vld.idx.msk [tilespmem:v4+s4+$0x0], $0xffff;
	v4 =	vor.u32 s29, v40  }
0x8b: {  	v1 =	vor.u32 v2, v24;
	v4 =	vand.u32 $0x7F, v4;
	[tilespmem:v6+s20+$0x0] =	vst.idx.msk $0xffff, v5  }
0x8c: {  	v2 =	vor.u32 v40, v46;
	v6 =	vor.u32 v4, v60;
	v5 =	vld.idx.msk [tilespmem:v7+s4+$0x0], $0xffff  }
0x8d: {  	v7 =	vor.u32 v35, v3;
	_ =	sdelay $0x2  }
0x8e: {  	[tilespmem:v1+s20+$0x0] =	vst.idx.msk $0xffff, v0  }
0x8f: {  	v1 =	vor.u32 v4, v24;
	v4 =	vor.u32 s29, v35;
	v0 =	vld.idx.msk [tilespmem:v2+s4+$0x0], $0xffff;
	[tilespmem:v6+s20+$0x0] =	vst.idx.msk $0xffff, v5  }
0x90: {  	v4 =	vand.u32 $0x7F, v4;
	v5 =	vld.idx.msk [tilespmem:v7+s4+$0x0], $0xffff  }
0x91: {  	v2 =	vor.u32 v35, v46;
	v6 =	vor.u32 v4, v60;
	v56 =	vld [tilespmem:$0x1FE40];
	_ =	sdelay $0x3  }
0x92: {  	[tilespmem:v1+s20+$0x0] =	vst.idx.msk $0xffff, v0  }
0x93: {  	v0 =	vld.idx.msk [tilespmem:v2+s4+$0x0], $0xffff;
	v7 =	vor.u32 v56, v3;
	[tilespmem:v6+s20+$0x0] =	vst.idx.msk $0xffff, v5  }
0x94: {  	v1 =	vor.u32 v4, v24;
	v27 =	vld [tilespmem:$0x1FE50]  }
0x95: {  	v2 =	vor.u32 v56, v46  }
0x96: {  	v4 =	vor.u32 s29, v56  }
0x97: {  	v4 =	vand.u32 $0x7F, v4  }
0x98: {  	v6 =	vor.u32 v4, v60;
	v5 =	vld.idx.msk [tilespmem:v7+s4+$0x0], $0xffff  }
0x99: {  	[tilespmem:v1+s20+$0x0] =	vst.idx.msk $0xffff, v0;
	v7 =	vor.u32 v27, v3  }
0x9a: {  	v1 =	vor.u32 v4, v24;
	v0 =	vld.idx.msk [tilespmem:v2+s4+$0x0], $0xffff  }
0x9b: {  	v2 =	vor.u32 v27, v46  }
0x9c: {  	v4 =	vor.u32 s29, v27  }
0x9d: {  	v4 =	vand.u32 $0x7F, v4;
	[tilespmem:v6+s20+$0x0] =	vst.idx.msk $0xffff, v5  }
0x9e: {  	v6 =	vor.u32 v4, v60;
	v5 =	vld.idx.msk [tilespmem:v7+s4+$0x0], $0xffff  }
0x9f: {  	[tilespmem:v1+s20+$0x0] =	vst.idx.msk $0xffff, v0;
	v7 =	vor.u32 v43, v3  }
0xa0: {  	v1 =	vor.u32 v4, v24;
	v0 =	vld.idx.msk [tilespmem:v2+s4+$0x0], $0xffff  }
0xa1: {  	v2 =	vor.u32 v43, v46  }
0xa2: {  	v4 =	vor.u32 s29, v43  }
0xa3: {  	v4 =	vand.u32 $0x7F, v4;
	[tilespmem:v6+s20+$0x0] =	vst.idx.msk $0xffff, v5  }
0xa4: {  	v6 =	vor.u32 v4, v60;
	v5 =	vld.idx.msk [tilespmem:v7+s4+$0x0], $0xffff  }
0xa5: {  	[tilespmem:v1+s20+$0x0] =	vst.idx.msk $0xffff, v0;
	v7 =	vor.u32 v32, v3  }
0xa6: {  	v1 =	vor.u32 v4, v24;
	v0 =	vld.idx.msk [tilespmem:v2+s4+$0x0], $0xffff;
	_ =	sdelay $0x1  }
0xa7: {  	v4 =	vor.u32 s29, v32;
	v2 =	vor.u32 v32, v46  }
0xa8: {  	v4 =	vand.u32 $0x7F, v4;
	[tilespmem:v6+s20+$0x0] =	vst.idx.msk $0xffff, v5  }
0xa9: {  	v6 =	vor.u32 v4, v60;
	v5 =	vld.idx.msk [tilespmem:v7+s4+$0x0], $0xffff  }
0xaa: {  	[tilespmem:v1+s20+$0x0] =	vst.idx.msk $0xffff, v0;
	v7 =	vor.u32 v33, v3  }
0xab: {  	s0 =	simm.s32 $0x400;
	[tilespmem:$0x1FE20] =	vst v8  }
0xac: {  	v0 =	vadd.s32 s0, v8;
	v1 =	vld.idx.msk [tilespmem:v2+s4+$0x0], $0xffff;
	v2 =	vor.u32 v4, v24  }
0xad: {  	v51 =	vmovc v8;
	v9 =	vor.u32 v33, v46;
	v8 =	vor.u32 s29, v33;
	v4 =	vor.u32 v29, v0  }
0xae: {  	v8 =	vand.u32 $0x7F, v8;
	v4 =	vbroadcast v4, $0x0;
	[tilespmem:v6+s20+$0x0] =	vst.idx.msk $0xffff, v5  }
0xaf: {  	v0 =	vor.u32 v30, v0;
	v6 =	vor.u32 v8, v60;
	v5 =	vld.idx.msk [tilespmem:v7+s4+$0x0], $0xffff  }
0xb0: {  	v0 =	vbroadcast v0, $0x0;
	v4 =	vor.u32 v31, v4  }
0xb1: {  	v7 =	vor.u32 v59, v3;
	[tilespmem:v2+s20+$0x0] =	vst.idx.msk $0xffff, v1  }
0xb2: {  	v0 =	vor.u32 v31, v0;
	v2 =	vor.u32 v8, v24;
	v1 =	vld.idx.msk [tilespmem:v9+s4+$0x0], $0xffff  }
0xb3: {  	v8 =	vor.u32 v59, v46  }
0xb4: {  	[tilespmem:v6+s20+$0x0] =	vst.idx.msk $0xffff, v5;
	v5 =	vor.u32 s29, v59  }
0xb5: {  	v4 =	vld.idx.msk [tilespmem:v4+s15+$0x0], $0xffff;
	v5 =	vand.u32 $0x7F, v5  }
0xb6: {  	v6 =	vld.idx.msk [tilespmem:v7+s4+$0x0], $0xffff;
	v7 =	vor.u32 v5, v60  }
0xb7: {  	v0 =	vld.idx.msk [tilespmem:v0+s15+$0x0], $0xffff;
	[tilespmem:v2+s20+$0x0] =	vst.idx.msk $0xffff, v1;
	v1 =	vor.u32 v26, v3  }
0xb8: {  	v2 =	vld.idx.msk [tilespmem:v8+s4+$0x0], $0xffff;
	v5 =	vor.u32 v5, v24  }
0xb9: {  	v8 =	vor.u32 v26, v46;
	_ =	sdelay $0x1  }
0xba: {  	v38 =	vshll.u32 v4, $0x5;
	[tilespmem:v7+s20+$0x0] =	vst.idx.msk $0xffff, v6;
	v6 =	vor.u32 s29, v26  }
0xbb: {  	s28 =	simm.s32 $0x20;
	v37 =	vshll.u32 v0, $0x5;
	v4 =	vor.u32 v31, v38;
	v0 =	vld.idx.msk [tilespmem:v1+s4+$0x0], $0xffff;
	v1 =	vand.u32 $0x7F, v6  }
0xbc: {  	v7 =	vor.u32 v31, v37;
	[tilespmem:v5+s20+$0x0] =	vst.idx.msk $0xffff, v2;
	v6 =	vmov s28;
	v9 =	vor.u32 v1, v60  }
0xbd: {  	v5 =	vor.u32 v28, v3;
	v2 =	vshll.u32 v6, $0x3;
	v6 =	vld.idx.msk [tilespmem:v8+s4+$0x0], $0xffff;
	v1 =	vor.u32 v1, v24  }
0xbe: {  	v10 =	vor.u32 v28, v46;
	v8 =	vor.u32 s28, v31;
	v2 =	vand.u32 $0x1C00, v2  }
0xbf: {  	v13 =	vmov v35;
	v8 =	vand.u32 $0x6F, v8;
	v35 =	vadd.s32 v58, v2  }
0xc0: {  	v4 =	vld.idx.msk [tilespmem:v4+s4+$0x0], $0xffff;
	v36 =	vadd.s32 v61, v2;
	v2 =	vor.u32 s29, v28;
	v11 =	vor.u32 v8, v35  }
0xc1: {  	v7 =	vld.idx.msk [tilespmem:v7+s4+$0x0], $0xffff;
	v8 =	vor.u32 v8, v36;
	v2 =	vand.u32 $0x7F, v2;
	[tilespmem:v9+s20+$0x0] =	vst.idx.msk $0xffff, v0  }
0xc2: {  	v9 =	vor.u32 v2, v60;
	[tilespmem:v1+s20+$0x0] =	vst.idx.msk $0xffff, v6;
	v5 =	vld.idx.msk [tilespmem:v5+s4+$0x0], $0xffff  }
0xc3: {  	v2 =	vor.u32 v2, v24;
	v6 =	vld.idx.msk [tilespmem:v10+s4+$0x0], $0xffff;
	_ =	sdelay $0x1  }
0xc4: {  	v12 =	vor.u32 v34, v38;
	[tilespmem:v11+s20+$0x0] =	vst.idx.msk $0xffff, v4  }
0xc5: {  	v0 =	vor.u32 v34, v37;
	[tilespmem:v8+s20+$0x0] =	vst.idx.msk $0xffff, v7  }
0xc6: {  	[tilespmem:v9+s20+$0x0] =	vst.idx.msk $0xffff, v5  }
0xc7: {  	v1 =	vor.u32 v39, v3;
	v10 =	vor.u32 s28, v34;
	[tilespmem:v2+s20+$0x0] =	vst.idx.msk $0xffff, v6  }
0xc8: {  	v4 =	vand.u32 $0x7F, v10;
	v10 =	vor.u32 v39, v46;
	v49 =	vld [tilespmem:$0x1FE60]  }
0xc9: {  	v11 =	vld.idx.msk [tilespmem:v12+s4+$0x0], $0xffff;
	v12 =	vor.u32 v4, v35  }
0xca: {  	v7 =	vor.u32 s29, v39;
	v8 =	vor.u32 v44, v38;
	v4 =	vor.u32 v4, v36;
	v0 =	vld.idx.msk [tilespmem:v0+s4+$0x0], $0xffff  }
0xcb: {  	v5 =	vand.u32 $0x7F, v7;
	v7 =	vor.u32 v44, v37  }
0xcc: {  	v1 =	vld.idx.msk [tilespmem:v1+s4+$0x0], $0xffff;
	v9 =	vor.u32 v5, v60  }
0xcd: {  	v5 =	vor.u32 v5, v24;
	v6 =	vld.idx.msk [tilespmem:v10+s4+$0x0], $0xffff;
	v10 =	vor.u32 s28, v44;
	v2 =	vor.u32 v49, v3  }
0xce: {  	[tilespmem:v12+s20+$0x0] =	vst.idx.msk $0xffff, v11;
	v10 =	vand.u32 $0x7F, v10;
	v11 =	vor.u32 v49, v46  }
0xcf: {  	v8 =	vld.idx.msk [tilespmem:v8+s4+$0x0], $0xffff;
	v12 =	vor.u32 v10, v35;
	[tilespmem:v4+s20+$0x0] =	vst.idx.msk $0xffff, v0  }
0xd0: {  	v4 =	vld.idx.msk [tilespmem:v7+s4+$0x0], $0xffff;
	v7 =	vor.u32 s29, v49  }
0xd1: {  	v0 =	vor.u32 v40, v38;
	v10 =	vor.u32 v10, v36;
	[tilespmem:v9+s20+$0x0] =	vst.idx.msk $0xffff, v1;
	v1 =	vand.u32 $0x7F, v7  }
0xd2: {  	v7 =	vor.u32 v40, v37;
	[tilespmem:v5+s20+$0x0] =	vst.idx.msk $0xffff, v6;
	v9 =	vor.u32 v1, v60;
	v2 =	vld.idx.msk [tilespmem:v2+s4+$0x0], $0xffff  }
0xd3: {  	v5 =	vor.u32 v50, v3;
	v1 =	vor.u32 v1, v24;
	v6 =	vld.idx.msk [tilespmem:v11+s4+$0x0], $0xffff;
	v11 =	vor.u32 s28, v40  }
0xd4: {  	[tilespmem:v12+s20+$0x0] =	vst.idx.msk $0xffff, v8;
	v8 =	vand.u32 $0x7F, v11;
	v11 =	vor.u32 v50, v46;
	_ =	sdelay $0x1  }
0xd5: {  	v0 =	vld.idx.msk [tilespmem:v0+s4+$0x0], $0xffff;
	[tilespmem:v10+s20+$0x0] =	vst.idx.msk $0xffff, v4;
	v4 =	vor.u32 s29, v50;
	v12 =	vor.u32 v8, v35  }
0xd6: {  	v7 =	vld.idx.msk [tilespmem:v7+s4+$0x0], $0xffff;
	v8 =	vor.u32 v8, v36;
	[tilespmem:v9+s20+$0x0] =	vst.idx.msk $0xffff, v2;
	v2 =	vand.u32 $0x7F, v4  }
0xd7: {  	v10 =	vor.u32 v13, v38;
	[tilespmem:v1+s20+$0x0] =	vst.idx.msk $0xffff, v6;
	v5 =	vld.idx.msk [tilespmem:v5+s4+$0x0], $0xffff;
	v9 =	vor.u32 v2, v60  }
0xd8: {  	v6 =	vld.idx.msk [tilespmem:v11+s4+$0x0], $0xffff;
	v2 =	vor.u32 v2, v24;
	_ =	sdelay $0x1  }
0xd9: {  	v4 =	vor.u32 v13, v37;
	v11 =	vor.u32 s28, v13;
	[tilespmem:v12+s20+$0x0] =	vst.idx.msk $0xffff, v0  }
0xda: {  	v1 =	vor.u32 v52, v3;
	v0 =	vand.u32 $0x7F, v11;
	[tilespmem:v8+s20+$0x0] =	vst.idx.msk $0xffff, v7  }
0xdb: {  	v11 =	vor.u32 v52, v46;
	v10 =	vld.idx.msk [tilespmem:v10+s4+$0x0], $0xffff;
	v12 =	vor.u32 v0, v35;
	[tilespmem:v9+s20+$0x0] =	vst.idx.msk $0xffff, v5  }
0xdc: {  	[tilespmem:v2+s20+$0x0] =	vst.idx.msk $0xffff, v6  }
0xdd: {  	v7 =	vor.u32 s29, v52;
	v8 =	vor.u32 v56, v38;
	v57 =	vld [tilespmem:$0x1FE70]  }
0xde: {  	v14 =	vor.u32 v0, v36;
	v0 =	vand.u32 $0x7F, v7;
	v13 =	vld.idx.msk [tilespmem:v4+s4+$0x0], $0xffff  }
0xdf: {  	v7 =	vor.u32 v0, v60;
	v5 =	vor.u32 v56, v37;
	v1 =	vld.idx.msk [tilespmem:v1+s4+$0x0], $0xffff  }
0xe0: {  	v9 =	vor.u32 s28, v56;
	v6 =	vld.idx.msk [tilespmem:v11+s4+$0x0], $0xffff;
	v11 =	vor.u32 v0, v24;
	v0 =	vor.u32 s29, v19;
	[tilespmem:v12+s20+$0x0] =	vst.idx.msk $0xffff, v10  }
0xe1: {  	v9 =	vand.u32 $0x7F, v9;
	[tilespmem:$0x1FD10] =	vst v0  }
0xe2: {  	v16 =	vor.u32 v9, v35;
	v8 =	vld.idx.msk [tilespmem:v8+s4+$0x0], $0xffff;
	v2 =	vor.u32 v57, v3  }
0xe3: {  	[tilespmem:v14+s20+$0x0] =	vst.idx.msk $0xffff, v13;
	v10 =	vor.u32 v57, v46  }
0xe4: {  	v9 =	vor.u32 v9, v36;
	v5 =	vld.idx.msk [tilespmem:v5+s4+$0x0], $0xffff;
	v12 =	vor.u32 s29, v57  }
0xe5: {  	v14 =	vor.u32 v27, v38;
	[tilespmem:v7+s20+$0x0] =	vst.idx.msk $0xffff, v1  }
0xe6: {  	v62 =	vor.u32 s29, v18;
	v7 =	vor.u32 v27, v37;
	[tilespmem:v11+s20+$0x0] =	vst.idx.msk $0xffff, v6;
	v1 =	vand.u32 $0x7F, v12  }
0xe7: {  	v0 =	vor.u32 s29, v48;
	v12 =	vmov v19;
	v19 =	vor.u32 v1, v60;
	[tilespmem:v16+s20+$0x0] =	vst.idx.msk $0xffff, v8;
	v2 =	vld.idx.msk [tilespmem:v2+s4+$0x0], $0xffff  }
0xe8: {  	v63 =	vmovc v28;
	v13 =	vor.u32 s29, v20;
	v6 =	vor.u32 v20, v3;
	v11 =	vor.u32 s28, v27;
	v10 =	vld.idx.msk [tilespmem:v10+s4+$0x0], $0xffff;
	[tilespmem:$0x1FD40] =	vst v0  }
0xe9: {  	v27 =	vmovc v20;
	v20 =	vor.u32 v1, v24;
	v8 =	vand.u32 $0x7F, v11;
	v0 =	vor.u32 s29, v47;
	[tilespmem:v9+s20+$0x0] =	vst.idx.msk $0xffff, v5  }
0xea: {  	v28 =	vmovc v18;
	v18 =	vor.u32 s29, v21;
	v16 =	vor.u32 v8, v35;
	v14 =	vld.idx.msk [tilespmem:v14+s4+$0x0], $0xffff;
	[tilespmem:$0x1FDB0] =	vst v0;
	v0 =	vor.u32 s29, v15  }
0xeb: {  	v4 =	vmovc v21;
	v21 =	vor.u32 s29, v23;
	v11 =	vor.u32 v27, v46;
	v1 =	vmov v23;
	v23 =	vld.idx.msk [tilespmem:v7+s4+$0x0], $0xffff;
	[tilespmem:$0x1FDF0] =	vst v0  }
0xec: {  	v5 =	vor.u32 v45, v38;
	[tilespmem:v19+s20+$0x0] =	vst.idx.msk $0xffff, v2  }
0xed: {  	v8 =	vor.u32 v8, v36;
	v9 =	vor.u32 v43, v38;
	v2 =	vand.u32 $0x7F, v13;
	[tilespmem:$0x1FC60] =	vst v5  }
0xee: {  	v7 =	vmov v26;
	v26 =	vmov v39;
	v19 =	vor.u32 v2, v60;
	v6 =	vld.idx.msk [tilespmem:v6+s4+$0x0], $0xffff;
	[tilespmem:v20+s20+$0x0] =	vst.idx.msk $0xffff, v10  }
0xef: {  	v13 =	vor.u32 v43, v37;
	v39 =	vor.u32 v2, v24;
	v5 =	vor.u32 s28, v28;
	[tilespmem:v16+s20+$0x0] =	vst.idx.msk $0xffff, v14  }
0xf0: {  	v10 =	vor.u32 v53, v3;
	v20 =	vor.u32 s28, v43;
	v11 =	vld.idx.msk [tilespmem:v11+s4+$0x0], $0xffff;
	[tilespmem:$0x1FC70] =	vst v5;
	v5 =	vor.u32 s28, v12  }
0xf1: {  	v14 =	vor.u32 v53, v46;
	v2 =	vand.u32 $0x7F, v20;
	[tilespmem:$0x1FC80] =	vst v5  }
0xf2: {  	v41 =	vor.u32 v2, v35;
	v20 =	vld.idx.msk [tilespmem:v9+s4+$0x0], $0xffff;
	[tilespmem:v8+s20+$0x0] =	vst.idx.msk $0xffff, v23  }
0xf3: {  	v49 =	vor.u32 v2, v36;
	v2 =	vor.u32 s28, v52;
	[tilespmem:v19+s20+$0x0] =	vst.idx.msk $0xffff, v6  }
0xf4: {  	v23 =	vor.u32 v32, v38;
	v13 =	vld.idx.msk [tilespmem:v13+s4+$0x0], $0xffff;
	[tilespmem:$0x1FD60] =	vst v2  }
0xf5: {  	v8 =	vor.u32 s29, v53;
	v2 =	vor.u32 s28, v57;
	v10 =	vld.idx.msk [tilespmem:v10+s4+$0x0], $0xffff;
	[tilespmem:v39+s20+$0x0] =	vst.idx.msk $0xffff, v11  }
0xf6: {  	v53 =	vor.u32 s28, v32;
	v8 =	vand.u32 $0x7F, v8;
	v14 =	vld.idx.msk [tilespmem:v14+s4+$0x0], $0xffff;
	[tilespmem:$0x1FDA0] =	vst v2  }
0xf7: {  	v6 =	vor.u32 s28, v50;
	v50 =	vor.u32 v8, v60;
	v2 =	vor.u32 v15, v3;
	[tilespmem:v41+s20+$0x0] =	vst.idx.msk $0xffff, v20  }
0xf8: {  	v5 =	vmov v47;
	v47 =	vor.u32 v8, v24;
	v20 =	vand.u32 $0x7F, v53;
	[tilespmem:$0x1FE00] =	vst v2  }
0xf9: {  	v41 =	vor.u32 v20, v35;
	v23 =	vld.idx.msk [tilespmem:v23+s4+$0x0], $0xffff;
	_ =	sdelay $0x1  }
0xfa: {  	[tilespmem:v49+s20+$0x0] =	vst.idx.msk $0xffff, v13  }
0xfb: {  	[tilespmem:v50+s20+$0x0] =	vst.idx.msk $0xffff, v10  }
0xfc: {  	v19 =	vor.u32 v32, v37;
	[tilespmem:v47+s20+$0x0] =	vst.idx.msk $0xffff, v14  }
0xfd: {  	[tilespmem:v41+s20+$0x0] =	vst.idx.msk $0xffff, v23  }
0xfe: {  	v11 =	vor.u32 v55, v3;
	v8 =	vld [tilespmem:$0x1FF60]  }
0xff: {  	v39 =	vor.u32 v55, v46  }
0x100: {  	v22 =	vor.u32 s29, v42;
	v0 =	vmov v42;
	v42 =	vor.u32 v33, v38  }
0x101: {  	v17 =	vor.u32 s29, v55;
	v19 =	vld.idx.msk [tilespmem:v19+s4+$0x0], $0xffff;
	v10 =	vor.u32 v20, v36  }
0x102: {  	v25 =	vor.u32 v45, v3;
	s0 =	simm.s32 $0x800;
	v13 =	vand.u32 $0x7F, v17  }
0x103: {  	v57 =	vadd.s32 s0, v51;
	v51 =	vmovc v48;
	v20 =	vor.u32 v13, v60;
	v48 =	vld.idx.msk [tilespmem:v11+s4+$0x0], $0xffff;
	v2 =	vor.u32 v8, v3  }
0x104: {  	v53 =	vor.u32 v33, v37;
	v11 =	vor.u32 v29, v57;
	v39 =	vld.idx.msk [tilespmem:v39+s4+$0x0], $0xffff;
	[tilespmem:$0x1FD80] =	vst v2;
	v2 =	vor.u32 s28, v27  }
0x105: {  	v17 =	vor.u32 s28, v33;
	v43 =	vor.u32 v13, v24;
	v11 =	vbroadcast v11, $0x0;
	v41 =	vld.idx.msk [tilespmem:v42+s4+$0x0], $0xffff;
	[tilespmem:$0x1FDD0] =	vst v2  }
0x106: {  	v14 =	vor.u32 v30, v57;
	v23 =	vor.u32 v45, v46;
	v2 =	vor.u32 s28, v55;
	[tilespmem:v10+s20+$0x0] =	vst.idx.msk $0xffff, v19  }
0x107: {  	v17 =	vand.u32 $0x7F, v17;
	v14 =	vbroadcast v14, $0x0;
	v57 =	vor.u32 v31, v11;
	[tilespmem:$0x1FE10] =	vst v2  }
0x108: {  	v42 =	vor.u32 v17, v35;
	v2 =	vor.u32 v5, v3;
	[tilespmem:v20+s20+$0x0] =	vst.idx.msk $0xffff, v48  }
0x109: {  	v54 =	vor.u32 s29, v45;
	v50 =	vor.u32 v31, v14;
	v19 =	vor.u32 v59, v38;
	v49 =	vld.idx.msk [tilespmem:v53+s4+$0x0], $0xffff;
	[tilespmem:$0x1FDC0] =	vst v2  }
0x10a: {  	v17 =	vor.u32 v17, v36;
	v20 =	vand.u32 $0x7F, v54;
	v2 =	vor.u32 s28, v45;
	v48 =	vld.idx.msk [tilespmem:v25+s4+$0x0], $0xffff;
	[tilespmem:v43+s20+$0x0] =	vst.idx.msk $0xffff, v39  }
0x10b: {  	v9 =	vmov v52;
	v52 =	vor.u32 v20, v60;
	v25 =	vor.u32 v59, v37;
	v23 =	vld.idx.msk [tilespmem:v23+s4+$0x0], $0xffff;
	[tilespmem:$0x1FC90] =	vst v2  }
0x10c: {  	v43 =	vor.u32 v1, v3;
	v47 =	vld.idx.msk [tilespmem:v57+s15+$0x0], $0xffff;
	v57 =	vor.u32 s28, v59  }
0x10d: {  	v40 =	vor.u32 s28, v63;
	v20 =	vor.u32 v20, v24;
	[tilespmem:v42+s20+$0x0] =	vst.idx.msk $0xffff, v41;
	v41 =	vand.u32 $0x7F, v57  }
0x10e: {  	v55 =	vor.u32 v7, v37;
	v42 =	vor.u32 v1, v46;
	v19 =	vld.idx.msk [tilespmem:v19+s4+$0x0], $0xffff;
	v53 =	vor.u32 v41, v35  }
0x10f: {  	v50 =	vld.idx.msk [tilespmem:v50+s15+$0x0], $0xffff;
	[tilespmem:v17+s20+$0x0] =	vst.idx.msk $0xffff, v49;
	v17 =	vand.u32 $0x7F, v18;
	v18 =	vand.u32 $0x7F, v21;
	v21 =	vor.u32 v7, v38  }
0x110: {  	v49 =	vor.u32 v41, v36;
	v57 =	vor.u32 v18, v60;
	[tilespmem:v52+s20+$0x0] =	vst.idx.msk $0xffff, v48;
	v39 =	vld.idx.msk [tilespmem:v25+s4+$0x0], $0xffff  }
0x111: {  	v18 =	vor.u32 v18, v24;
	v48 =	vor.u32 v17, v24;
	v17 =	vor.u32 v17, v60;
	v43 =	vld.idx.msk [tilespmem:v43+s4+$0x0], $0xffff  }
0x112: {  	v52 =	vor.u32 v4, v46;
	[tilespmem:v20+s20+$0x0] =	vst.idx.msk $0xffff, v23;
	v20 =	vor.u32 v4, v3;
	v41 =	vshll.u32 v47, $0x5  }
0x113: {  	v54 =	vand.u32 $0x7F, v40;
	v23 =	vld.idx.msk [tilespmem:v42+s4+$0x0], $0xffff;
	v42 =	vor.u32 v31, v41;
	[tilespmem:v53+s20+$0x0] =	vst.idx.msk $0xffff, v19;
	v19 =	vor.u32 s28, v7  }
0x114: {  	s30 =	simm.s32 $0x40;
	v25 =	vmovc v60;
	v40 =	vshll.u32 v50, $0x5;
	v47 =	vor.u32 v63, v38;
	v19 =	vand.u32 $0x7F, v19  }
0x115: {  	v60 =	vmov s30;
	v50 =	vor.u32 v31, v40;
	v21 =	vld.idx.msk [tilespmem:v21+s4+$0x0], $0xffff;
	[tilespmem:v49+s20+$0x0] =	vst.idx.msk $0xffff, v39;
	v53 =	vor.u32 v19, v35  }
0x116: {  	v39 =	vshll.u32 v60, $0x3;
	v49 =	vld.idx.msk [tilespmem:v55+s4+$0x0], $0xffff;
	[tilespmem:v57+s20+$0x0] =	vst.idx.msk $0xffff, v43;
	v19 =	vor.u32 v19, v36  }
0x117: {  	v60 =	vor.u32 s30, v31;
	v55 =	vand.u32 $0x1C00, v39;
	v57 =	vor.u32 v63, v37;
	v20 =	vld.idx.msk [tilespmem:v20+s4+$0x0], $0xffff;
	[tilespmem:$0x1FCA0] =	vst v58  }
0x118: {  	v16 =	vor.u32 s28, v26;
	v43 =	vand.u32 $0x6F, v60;
	v39 =	vadd.s32 v58, v55;
	v58 =	vld.idx.msk [tilespmem:v42+s4+$0x0], $0xffff;
	[tilespmem:v18+s20+$0x0] =	vst.idx.msk $0xffff, v23  }
0x119: {  	v11 =	vmovc v5;
	v5 =	vmov v63;
	v2 =	vmov v26;
	v18 =	vor.u32 v43, v39;
	v52 =	vld.idx.msk [tilespmem:v52+s4+$0x0], $0xffff;
	[tilespmem:$0x1FCB0] =	vst v61  }
0x11a: {  	v7 =	vor.u32 v0, v46;
	v23 =	vor.u32 v0, v3;
	v50 =	vld.idx.msk [tilespmem:v50+s4+$0x0], $0xffff;
	[tilespmem:v53+s20+$0x0] =	vst.idx.msk $0xffff, v21  }
0x11b: {  	v60 =	vor.u32 v34, v41;
	v42 =	vadd.s32 v61, v55;
	[tilespmem:v19+s20+$0x0] =	vst.idx.msk $0xffff, v49;
	v47 =	vld.idx.msk [tilespmem:v47+s4+$0x0], $0xffff  }
0x11c: {  	v63 =	vor.u32 v26, v38;
	v21 =	vor.u32 v43, v42;
	v26 =	vld [tilespmem:$0x1FE70];
	[tilespmem:v17+s20+$0x0] =	vst.idx.msk $0xffff, v20;
	v17 =	vor.u32 s28, v4  }
0x11d: {  	v61 =	vor.u32 v54, v35;
	v19 =	vor.u32 v34, v40;
	v10 =	vld.idx.msk [tilespmem:v57+s4+$0x0], $0xffff;
	[tilespmem:$0x1FCC0] =	vst v17  }
0x11e: {  	[tilespmem:v18+s20+$0x0] =	vst.idx.msk $0xffff, v58;
	v18 =	vor.u32 v54, v36  }
0x11f: {  	v22 =	vand.u32 $0x7F, v22;
	v20 =	vld.idx.msk [tilespmem:v23+s4+$0x0], $0xffff  }
0x120: {  	v43 =	vor.u32 v22, v25;
	v17 =	vor.u32 s30, v34;
	[tilespmem:v48+s20+$0x0] =	vst.idx.msk $0xffff, v52;
	v23 =	vld.idx.msk [tilespmem:v60+s4+$0x0], $0xffff  }
0x121: {  	v17 =	vand.u32 $0x7F, v17;
	v54 =	vor.u32 v2, v37;
	[tilespmem:v21+s20+$0x0] =	vst.idx.msk $0xffff, v50;
	v21 =	vld.idx.msk [tilespmem:v7+s4+$0x0], $0xffff  }
0x122: {  	v53 =	vor.u32 v28, v3;
	v48 =	vor.u32 v17, v39;
	[tilespmem:v61+s20+$0x0] =	vst.idx.msk $0xffff, v47;
	v19 =	vld.idx.msk [tilespmem:v19+s4+$0x0], $0xffff  }
0x123: {  	v22 =	vor.u32 v22, v24;
	v7 =	vld [tilespmem:$0x1FE60];
	[tilespmem:v18+s20+$0x0] =	vst.idx.msk $0xffff, v10;
	v10 =	vor.u32 s28, v1  }
0x124: {  	v52 =	vor.u32 v44, v41;
	v58 =	vld.idx.msk [tilespmem:v63+s4+$0x0], $0xffff;
	[tilespmem:$0x1FCD0] =	vst v10  }
0x125: {  	v17 =	vor.u32 v17, v42;
	v10 =	vor.u32 s28, v0;
	[tilespmem:v43+s20+$0x0] =	vst.idx.msk $0xffff, v20  }
0x126: {  	v16 =	vand.u32 $0x7F, v16;
	v4 =	vand.u32 $0x7F, v62;
	v50 =	vor.u32 v28, v46;
	v62 =	vld.idx.msk [tilespmem:v54+s4+$0x0], $0xffff;
	[tilespmem:$0x1FCE0] =	vst v10  }
0x127: {  	v60 =	vor.u32 v16, v35;
	[tilespmem:v48+s20+$0x0] =	vst.idx.msk $0xffff, v23;
	v23 =	vld.idx.msk [tilespmem:v53+s4+$0x0], $0xffff  }
0x128: {  	v16 =	vor.u32 v16, v36;
	v10 =	vld [tilespmem:$0x1FEB0];
	[tilespmem:v22+s20+$0x0] =	vst.idx.msk $0xffff, v21;
	v22 =	vor.u32 s28, v51  }
0x129: {  	v47 =	vor.u32 v4, v25;
	v18 =	vor.u32 v7, v38;
	v43 =	vld.idx.msk [tilespmem:v52+s4+$0x0], $0xffff;
	[tilespmem:$0x1FCF0] =	vst v22  }
0x12a: {  	v57 =	vor.u32 v7, v37;
	[tilespmem:v17+s20+$0x0] =	vst.idx.msk $0xffff, v19;
	v19 =	vor.u32 s28, v7;
	v7 =	vor.u32 s28, v11  }
0x12b: {  	v55 =	vor.u32 v44, v40;
	v17 =	vld.idx.msk [tilespmem:v50+s4+$0x0], $0xffff;
	[tilespmem:$0x1FD00] =	vst v7  }
0x12c: {  	v20 =	vor.u32 s30, v44;
	[tilespmem:v60+s20+$0x0] =	vst.idx.msk $0xffff, v58  }
0x12d: {  	v20 =	vand.u32 $0x7F, v20;
	v61 =	vld [tilespmem:$0x1FFE0];
	[tilespmem:v16+s20+$0x0] =	vst.idx.msk $0xffff, v62  }
0x12e: {  	v63 =	vor.u32 v12, v3;
	v54 =	vmov v0;
	v21 =	vor.u32 v20, v39;
	v0 =	vld [tilespmem:$0x1FD10];
	[tilespmem:v47+s20+$0x0] =	vst.idx.msk $0xffff, v23  }
0x12f: {  	v4 =	vor.u32 v4, v24;
	v7 =	vld [tilespmem:$0x1FE90]  }
0x130: {  	v22 =	vld.idx.msk [tilespmem:v55+s4+$0x0], $0xffff  }
0x131: {  	v18 =	vld.idx.msk [tilespmem:v18+s4+$0x0], $0xffff  }
0x132: {  	v19 =	vand.u32 $0x7F, v19;
	v47 =	vld.idx.msk [tilespmem:v57+s4+$0x0], $0xffff  }
0x133: {  	v20 =	vor.u32 v20, v42;
	v52 =	vor.u32 v19, v35;
	[tilespmem:v21+s20+$0x0] =	vst.idx.msk $0xffff, v43;
	v58 =	vld.idx.msk [tilespmem:v63+s4+$0x0], $0xffff  }
0x134: {  	v23 =	vor.u32 v7, v38;
	v7 =	vld [tilespmem:$0x1FE80];
	[tilespmem:v4+s20+$0x0] =	vst.idx.msk $0xffff, v17;
	v4 =	vor.u32 v45, v41  }
0x135: {  	[tilespmem:$0x1FD20] =	vst v4;
	v4 =	vld [tilespmem:$0x1FE90]  }
0x136: {  	v50 =	vor.u32 v61, v41;
	_ =	sdelay $0x1  }
0x137: {  	v19 =	vor.u32 v19, v36;
	v16 =	vor.u32 v12, v46;
	[tilespmem:v20+s20+$0x0] =	vst.idx.msk $0xffff, v22  }
0x138: {  	v55 =	vor.u32 v61, v40;
	v53 =	vor.u32 s30, v61;
	v61 =	vor.u32 s30, v28;
	v28 =	vld [tilespmem:$0x1FE90];
	[tilespmem:v52+s20+$0x0] =	vst.idx.msk $0xffff, v18  }
0x139: {  	v0 =	vand.u32 $0x7F, v0;
	v43 =	vor.u32 v4, v37;
	v4 =	vor.u32 s30, v5;
	v5 =	vld [tilespmem:$0x1FFF0]  }
0x13a: {  	v21 =	vor.u32 v0, v25;
	v17 =	vand.u32 $0x7F, v53;
	v20 =	vld.idx.msk [tilespmem:v50+s4+$0x0], $0xffff;
	v18 =	vor.u32 s30, v12  }
0x13b: {  	v13 =	vor.u32 v51, v3;
	v22 =	vor.u32 v17, v39;
	[tilespmem:$0x1FD30] =	vst v18;
	v1 =	vld [tilespmem:$0x1FD40]  }
0x13c: {  	v0 =	vor.u32 v0, v24;
	v16 =	vld.idx.msk [tilespmem:v16+s4+$0x0], $0xffff  }
0x13d: {  	v14 =	vor.u32 v51, v46;
	v17 =	vor.u32 v17, v42;
	v52 =	vld.idx.msk [tilespmem:v55+s4+$0x0], $0xffff  }
0x13e: {  	v6 =	vand.u32 $0x7F, v6;
	[tilespmem:v19+s20+$0x0] =	vst.idx.msk $0xffff, v47;
	v18 =	vor.u32 v5, v41  }
0x13f: {  	v19 =	vld.idx.msk [tilespmem:v23+s4+$0x0], $0xffff;
	v47 =	vor.u32 v6, v35;
	[tilespmem:v21+s20+$0x0] =	vst.idx.msk $0xffff, v58  }
0x140: {  	v49 =	vmov v15;
	v57 =	vor.u32 s28, v15;
	v15 =	vld.idx.msk [tilespmem:v13+s4+$0x0], $0xffff;
	[tilespmem:v22+s20+$0x0] =	vst.idx.msk $0xffff, v20  }
0x141: {  	[tilespmem:v0+s20+$0x0] =	vst.idx.msk $0xffff, v16;
	v48 =	vld.idx.msk [tilespmem:v43+s4+$0x0], $0xffff  }
0x142: {  	v1 =	vand.u32 $0x7F, v1;
	[tilespmem:v17+s20+$0x0] =	vst.idx.msk $0xffff, v52;
	v0 =	vor.u32 s30, v28;
	v14 =	vld.idx.msk [tilespmem:v14+s4+$0x0], $0xffff  }
0x143: {  	v23 =	vor.u32 v5, v40;
	v58 =	vor.u32 s30, v5;
	v43 =	vor.u32 v6, v36;
	v18 =	vld.idx.msk [tilespmem:v18+s4+$0x0], $0xffff;
	[tilespmem:$0x1FD50] =	vst v0  }
0x144: {  	v21 =	vor.u32 v9, v38;
	v20 =	vor.u32 v1, v25;
	v22 =	vand.u32 $0x7F, v58;
	[tilespmem:v47+s20+$0x0] =	vst.idx.msk $0xffff, v19  }
0x145: {  	v16 =	vor.u32 v9, v37;
	v55 =	vor.u32 v22, v39;
	v0 =	vld [tilespmem:$0x1FD60];
	_ =	sdelay $0x2  }
0x146: {  	v23 =	vld.idx.msk [tilespmem:v23+s4+$0x0], $0xffff;
	[tilespmem:v43+s20+$0x0] =	vst.idx.msk $0xffff, v48  }
0x147: {  	v21 =	vld.idx.msk [tilespmem:v21+s4+$0x0], $0xffff;
	[tilespmem:v20+s20+$0x0] =	vst.idx.msk $0xffff, v15  }
0x148: {  	v58 =	vor.u32 v1, v24;
	v16 =	vld.idx.msk [tilespmem:v16+s4+$0x0], $0xffff;
	[tilespmem:v55+s20+$0x0] =	vst.idx.msk $0xffff, v18;
	v1 =	vand.u32 $0x7F, v0;
	v0 =	vor.u32 s30, v9  }
0x149: {  	[tilespmem:$0x1FD70] =	vst v0;
	v0 =	vld [tilespmem:$0x1FD80];
	_ =	sdelay $0x2  }
0x14a: {  	v19 =	vor.u32 v22, v42  }
0x14b: {  	v17 =	vor.u32 v56, v41  }
0x14c: {  	v47 =	vor.u32 v1, v35;
	_ =	sdelay $0x1  }
0x14d: {  	[tilespmem:v58+s20+$0x0] =	vst.idx.msk $0xffff, v14  }
0x14e: {  	v6 =	vor.u32 s30, v2;
	v2 =	vor.u32 s29, v8;
	[tilespmem:v19+s20+$0x0] =	vst.idx.msk $0xffff, v23;
	v13 =	vld.idx.msk [tilespmem:v0+s4+$0x0], $0xffff;
	v0 =	vor.u32 s30, v26  }
0x14f: {  	v20 =	vand.u32 $0x7F, v2;
	v2 =	vor.u32 s30, v56;
	v18 =	vor.u32 v1, v36;
	v14 =	vld.idx.msk [tilespmem:v17+s4+$0x0], $0xffff;
	[tilespmem:$0x1FD90] =	vst v0  }
0x150: {  	v22 =	vor.u32 v8, v46;
	v52 =	vor.u32 v20, v25;
	v43 =	vand.u32 $0x7F, v2;
	[tilespmem:v47+s20+$0x0] =	vst.idx.msk $0xffff, v21  }
0x151: {  	v58 =	vor.u32 v43, v39;
	v2 =	vld [tilespmem:$0x1FDA0]  }
0x152: {  	v0 =	vld [tilespmem:$0x1FE50];
	_ =	sdelay $0x1  }
0x153: {  	v1 =	vld [tilespmem:$0x1FEC0];
	[tilespmem:v18+s20+$0x0] =	vst.idx.msk $0xffff, v16  }
0x154: {  	v21 =	vld.idx.msk [tilespmem:v22+s4+$0x0], $0xffff;
	[tilespmem:v52+s20+$0x0] =	vst.idx.msk $0xffff, v13  }
0x155: {  	v48 =	vor.u32 v56, v40;
	v15 =	vor.u32 v26, v38;
	v9 =	vand.u32 $0x7F, v2;
	v2 =	vld [tilespmem:$0x1FDB0];
	[tilespmem:v58+s20+$0x0] =	vst.idx.msk $0xffff, v14  }
0x156: {  	v22 =	vor.u32 v0, v41;
	v16 =	vor.u32 v0, v40;
	v14 =	vor.u32 s30, v0;
	v0 =	vld [tilespmem:$0x1FDC0]  }
0x157: {  	v17 =	vor.u32 v26, v37  }
0x158: {  	v20 =	vor.u32 v20, v24;
	_ =	sdelay $0x1  }
0x159: {  	v19 =	vor.u32 v11, v46;
	v23 =	vld.idx.msk [tilespmem:v48+s4+$0x0], $0xffff;
	v47 =	vor.u32 v1, v3;
	v3 =	vor.u32 v43, v42  }
0x15a: {  	v15 =	vld.idx.msk [tilespmem:v15+s4+$0x0], $0xffff;
	v18 =	vor.u32 v9, v35  }
0x15b: {  	v17 =	vld.idx.msk [tilespmem:v17+s4+$0x0], $0xffff;
	v9 =	vor.u32 v9, v36;
	v14 =	vand.u32 $0x7F, v14  }
0x15c: {  	[tilespmem:v20+s20+$0x0] =	vst.idx.msk $0xffff, v21;
	v5 =	vand.u32 $0x7F, v2;
	v21 =	vld.idx.msk [tilespmem:v22+s4+$0x0], $0xffff;
	v22 =	vor.u32 v14, v39  }
0x15d: {  	v13 =	vor.u32 v27, v38;
	v48 =	vor.u32 v5, v25;
	v12 =	vld.idx.msk [tilespmem:v0+s4+$0x0], $0xffff  }
0x15e: {  	v19 =	vld.idx.msk [tilespmem:v19+s4+$0x0], $0xffff;
	[tilespmem:v3+s20+$0x0] =	vst.idx.msk $0xffff, v23  }
0x15f: {  	v3 =	vld [tilespmem:$0x1FEA0];
	[tilespmem:v18+s20+$0x0] =	vst.idx.msk $0xffff, v15  }
0x160: {  	v20 =	vor.u32 v1, v46;
	v0 =	vmov v1;
	v1 =	vld [tilespmem:$0x1FDD0];
	[tilespmem:v9+s20+$0x0] =	vst.idx.msk $0xffff, v17  }
0x161: {  	v23 =	vor.u32 v5, v24;
	v16 =	vld.idx.msk [tilespmem:v16+s4+$0x0], $0xffff;
	[tilespmem:v22+s20+$0x0] =	vst.idx.msk $0xffff, v21  }
0x162: {  	v26 =	vmov v11;
	v14 =	vor.u32 v14, v42;
	v11 =	vld.idx.msk [tilespmem:v13+s4+$0x0], $0xffff;
	[tilespmem:v48+s20+$0x0] =	vst.idx.msk $0xffff, v12  }
0x163: {  	v13 =	vor.u32 s29, v0;
	v0 =	vld [tilespmem:$0x1FEF0];
	_ =	sdelay $0x1  }
0x164: {  	v43 =	vor.u32 v27, v37  }
0x165: {  	[tilespmem:v23+s20+$0x0] =	vst.idx.msk $0xffff, v19  }
0x166: {  	v58 =	vor.u32 v7, v41;
	v62 =	vor.u32 s30, v3;
	v3 =	vand.u32 $0x7F, v1;
	v55 =	vld [tilespmem:$0x1FEA0];
	[tilespmem:v14+s20+$0x0] =	vst.idx.msk $0xffff, v16  }
0x167: {  	v9 =	vor.u32 v3, v35;
	v12 =	vor.u32 v3, v36;
	v3 =	vor.u32 s30, v0;
	v0 =	vld [tilespmem:$0x1FF20];
	_ =	sdelay $0x1  }
0x168: {  	v17 =	vld.idx.msk [tilespmem:v43+s4+$0x0], $0xffff;
	v21 =	vor.u32 s30, v7;
	v13 =	vand.u32 $0x7F, v13  }
0x169: {  	v21 =	vand.u32 $0x7F, v21;
	v22 =	vor.u32 v13, v25;
	v43 =	vld.idx.msk [tilespmem:v47+s4+$0x0], $0xffff  }
0x16a: {  	v15 =	vor.u32 v7, v40;
	v7 =	vor.u32 v21, v39;
	v19 =	vld.idx.msk [tilespmem:v58+s4+$0x0], $0xffff  }
0x16b: {  	[tilespmem:v9+s20+$0x0] =	vst.idx.msk $0xffff, v11;
	v48 =	vor.u32 s30, v0;
	v0 =	vor.u32 s30, v51  }
0x16c: {  	v14 =	vld.idx.msk [tilespmem:v20+s4+$0x0], $0xffff;
	[tilespmem:$0x1FDE0] =	vst v0  }
0x16d: {  	[tilespmem:v12+s20+$0x0] =	vst.idx.msk $0xffff, v17  }
0x16e: {  	[tilespmem:v22+s20+$0x0] =	vst.idx.msk $0xffff, v43  }
0x16f: {  	v13 =	vor.u32 v13, v24;
	[tilespmem:v7+s20+$0x0] =	vst.idx.msk $0xffff, v19  }
0x170: {  	v0 =	vld [tilespmem:$0x1FDF0];
	_ =	sdelay $0x3  }
0x171: {  	[tilespmem:v13+s20+$0x0] =	vst.idx.msk $0xffff, v14  }
0x172: {  	v19 =	vand.u32 $0x7F, v0;
	v0 =	vld [tilespmem:$0x1FE00]  }
0x173: {  	v18 =	vor.u32 v10, v38  }
0x174: {  	v23 =	vor.u32 v10, v37  }
0x175: {  	v16 =	vor.u32 v21, v42;
	v15 =	vld.idx.msk [tilespmem:v15+s4+$0x0], $0xffff;
	_ =	sdelay $0x1  }
0x176: {  	v11 =	vor.u32 s28, v10  }
0x177: {  	v11 =	vand.u32 $0x7F, v11;
	v22 =	vld.idx.msk [tilespmem:v18+s4+$0x0], $0xffff  }
0x178: {  	v12 =	vor.u32 v11, v35;
	v2 =	vld.idx.msk [tilespmem:v23+s4+$0x0], $0xffff  }
0x179: {  	v23 =	vor.u32 v11, v36;
	[tilespmem:v16+s20+$0x0] =	vst.idx.msk $0xffff, v15;
	v8 =	vld.idx.msk [tilespmem:v0+s4+$0x0], $0xffff  }
0x17a: {  	v0 =	vld [tilespmem:$0x1FE10];
	_ =	sdelay $0x1  }
0x17b: {  	v9 =	vor.u32 v32, v41  }
0x17c: {  	v60 =	vor.u32 s30, v49;
	v10 =	vor.u32 v32, v40;
	[tilespmem:v12+s20+$0x0] =	vst.idx.msk $0xffff, v22  }
0x17d: {  	v63 =	vor.u32 s30, v27;
	v5 =	vor.u32 s30, v45;
	v17 =	vor.u32 v49, v46;
	[tilespmem:v23+s20+$0x0] =	vst.idx.msk $0xffff, v2  }
0x17e: {  	v47 =	vor.u32 s30, v54;
	v1 =	vor.u32 v55, v38;
	v13 =	vand.u32 $0x7F, v0;
	v0 =	vld [tilespmem:$0x1FE20]  }
0x17f: {  	v58 =	vor.u32 s30, v26;
	v21 =	vor.u32 v33, v41;
	v7 =	vor.u32 s30, v32  }
0x180: {  	v46 =	vor.u32 v49, v38;
	v18 =	vld.idx.msk [tilespmem:v9+s4+$0x0], $0xffff;
	v14 =	vand.u32 $0x7F, v7;
	v7 =	vor.u32 v55, v37  }
0x181: {  	v11 =	vor.u32 v19, v24;
	v9 =	vor.u32 v19, v25;
	v19 =	vld.idx.msk [tilespmem:v10+s4+$0x0], $0xffff;
	v10 =	vor.u32 s30, v33  }
0x182: {  	s29 =	simm.s32 $0xC00;
	v20 =	vor.u32 v14, v39;
	v17 =	vld.idx.msk [tilespmem:v17+s4+$0x0], $0xffff;
	v10 =	vand.u32 $0x7F, v10;
	v22 =	vor.u32 v14, v42  }
0x183: {  	s31 =	simm.s32 $0x6;
	s2 =	simm.s32 $0x3;
	v50 =	vmovc v28;
	v23 =	vor.u32 v33, v40;
	v16 =	vld.idx.msk [tilespmem:v1+s4+$0x0], $0xffff;
	v14 =	vor.u32 v13, v35;
	v12 =	vadd.s32 s29, v0;
	s29 =	simm.s32 $0x40  }
.LBB2_10:
0x184: {  	v0 =	vmov v60  }
0x185: {  	[tilespmem:$0x1FC30] =	vst v0;
	v0 =	vld [tilespmem:$0x1FC60];
	_ =	sdelay $0x5  }
0x186: {  	[tilespmem:v20+s20+$0x0] =	vst.idx.msk $0xffff, v18  }
0x187: {  	v18 =	vld.idx.msk [tilespmem:v21+s4+$0x0], $0xffff;
	[tilespmem:v14+s20+$0x0] =	vst.idx.msk $0xffff, v16  }
0x188: {  	v14 =	vld.idx.msk [tilespmem:v0+s4+$0x0], $0xffff  }
0x189: {  	v0 =	vld [tilespmem:$0x1FC90];
	_ =	sdelay $0x2  }
0x18a: {  	v25 =	vld.idx.msk [tilespmem:v7+s4+$0x0], $0xffff;
	[tilespmem:v11+s20+$0x0] =	vst.idx.msk $0xffff, v17  }
0x18b: {  	[tilespmem:v22+s20+$0x0] =	vst.idx.msk $0xffff, v19  }
0x18c: {  	v22 =	vld.idx.msk [tilespmem:v23+s4+$0x0], $0xffff;
	v23 =	vand.u32 $0x7F, v0;
	v0 =	vmov v5  }
0x18d: {  	[tilespmem:$0x1FC90] =	vst v0;
	v0 =	vld [tilespmem:$0x1FC70]  }
0x18e: {  	v15 =	vor.u32 v29, v12  }
0x18f: {  	v15 =	vbroadcast v15, $0x0;
	_ =	sdelay $0x1  }
0x190: {  	v45 =	vld [tilespmem:$0x1FF10];
	v20 =	vor.u32 v10, v39;
	v15 =	vor.u32 v31, v15  }
0x191: {  	v5 =	vand.u32 $0x7F, v0;
	v0 =	vld [tilespmem:$0x1FCE0]  }
0x192: {  	v24 =	vor.u32 v30, v12  }
0x193: {  	v24 =	vbroadcast v24, $0x0  }
0x194: {  	v13 =	vor.u32 v13, v36;
	[tilespmem:v9+s20+$0x0] =	vst.idx.msk $0xffff, v8  }
0x195: {  	v24 =	vor.u32 v31, v24;
	v21 =	vor.u32 v45, v37;
	v15 =	vld.idx.msk [tilespmem:v15+s15+$0x0], $0xffff;
	[tilespmem:v20+s20+$0x0] =	vst.idx.msk $0xffff, v18  }
0x196: {  	v9 =	vor.u32 v23, v35;
	v20 =	vor.u32 v23, v36;
	v23 =	vand.u32 $0x7F, v0;
	v0 =	vmovc v47  }
0x197: {  	v10 =	vor.u32 v10, v42;
	[tilespmem:$0x1FCE0] =	vst v0;
	v0 =	vld [tilespmem:$0x1FCD0];
	_ =	sdelay $0x1  }
0x198: {  	v56 =	vld [tilespmem:$0x1FF20];
	[tilespmem:v13+s20+$0x0] =	vst.idx.msk $0xffff, v25  }
0x199: {  	v24 =	vld.idx.msk [tilespmem:v24+s15+$0x0], $0xffff  }
0x19a: {  	v19 =	vor.u32 v59, v41;
	v21 =	vld.idx.msk [tilespmem:v21+s4+$0x0], $0xffff  }
0x19b: {  	v2 =	vmov v61;
	[tilespmem:v10+s20+$0x0] =	vst.idx.msk $0xffff, v22;
	v10 =	vand.u32 $0x7F, v0;
	v0 =	vld [tilespmem:$0x1FCC0]  }
0x19c: {  	v1 =	vmov v57;
	[tilespmem:$0x1FC70] =	vst v2;
	v2 =	vld [tilespmem:$0x1FF80]  }
0x19d: {  	[tilespmem:$0x1FC40] =	vst v1;
	v1 =	vld [tilespmem:$0x1FD20]  }
0x19e: {  	[tilespmem:$0x1FC20] =	vst v63;
	v63 =	vld [tilespmem:$0x1FF30];
	v18 =	vor.u32 s30, v59  }
0x19f: {  	v13 =	vor.u32 v56, v38;
	v8 =	vor.u32 v59, v40;
	v19 =	vld.idx.msk [tilespmem:v19+s4+$0x0], $0xffff;
	v18 =	vand.u32 $0x7F, v18  }
0x1a0: {  	v49 =	vld [tilespmem:$0x1FEF0];
	v59 =	vor.u32 v18, v39;
	[tilespmem:v9+s20+$0x0] =	vst.idx.msk $0xffff, v14;
	v14 =	vshll.u32 v15, $0x5;
	v22 =	vand.u32 $0x7F, v0;
	v0 =	vmovc v3  }
0x1a1: {  	v12 =	vld [tilespmem:$0x1FF60];
	v53 =	vor.u32 v2, v41;
	[tilespmem:$0x1FCC0] =	vst v0;
	v0 =	vor.u32 v45, v14  }
0x1a2: {  	v1 =	vmov v1;
	[tilespmem:$0x1FD20] =	vst v0;
	v0 =	vld [tilespmem:$0x1FFD0]  }
0x1a3: {  	v57 =	vor.u32 v56, v37;
	[tilespmem:$0x1FC60] =	vst v1;
	v1 =	vld [tilespmem:$0x1FF40]  }
0x1a4: {  	v43 =	vld.idx.msk [tilespmem:v8+s4+$0x0], $0xffff;
	v9 =	vor.u32 v18, v42;
	[tilespmem:v20+s20+$0x0] =	vst.idx.msk $0xffff, v21  }
0x1a5: {  	v28 =	vand.u32 $0x7F, v4;
	v29 =	vor.u32 v2, v40;
	v18 =	vld.idx.msk [tilespmem:v13+s4+$0x0], $0xffff;
	[tilespmem:v59+s20+$0x0] =	vst.idx.msk $0xffff, v19  }
0x1a6: {  	v52 =	vmovc v30;
	v4 =	vor.u32 s30, v2;
	s30 =	sadd.s32 $0x20, s30;
	v2 =	vmovc v48;
	v13 =	vshll.u32 v24, $0x5;
	v19 =	vld.idx.msk [tilespmem:v53+s4+$0x0], $0xffff;
	v30 =	vor.u32 v10, v35  }
0x1a7: {  	[tilespmem:$0x1FCD0] =	vst v2;
	v24 =	vor.u32 v0, v40;
	v2 =	vor.u32 s30, v0;
	v53 =	vor.u32 v0, v41;
	v0 =	vld [tilespmem:$0x1FCA0]  }
0x1a8: {  	v15 =	vor.u32 v49, v38;
	v20 =	vld.idx.msk [tilespmem:v57+s4+$0x0], $0xffff;
	v21 =	vor.u32 v10, v36  }
0x1a9: {  	v27 =	vor.u32 v49, v37;
	[tilespmem:v9+s20+$0x0] =	vst.idx.msk $0xffff, v43;
	v43 =	vld [tilespmem:$0x1FED0];
	v10 =	vand.u32 $0x7F, v4;
	v4 =	vmov s30  }
0x1aa: {  	v29 =	vld.idx.msk [tilespmem:v29+s4+$0x0], $0xffff;
	v9 =	vshll.u32 v4, $0x3;
	v3 =	vor.u32 v31, v14  }
0x1ab: {  	v57 =	vor.u32 v31, v13;
	v59 =	vor.u32 v10, v39;
	v9 =	vand.u32 $0x1C00, v9;
	[tilespmem:$0x1FC50] =	vst v2;
	v2 =	vld [tilespmem:$0x1FCB0]  }
0x1ac: {  	[tilespmem:v30+s20+$0x0] =	vst.idx.msk $0xffff, v18;
	v30 =	vor.u32 v10, v42;
	v10 =	vadd.s32 v0, v9;
	v0 =	vld [tilespmem:$0x1FFA0]  }
0x1ad: {  	v18 =	vor.u32 s30, v31;
	[tilespmem:v21+s20+$0x0] =	vst.idx.msk $0xffff, v20;
	v15 =	vld.idx.msk [tilespmem:v15+s4+$0x0], $0xffff  }
0x1ae: {  	v26 =	vor.u32 v22, v36;
	v22 =	vor.u32 v22, v35;
	v18 =	vand.u32 $0x6F, v18;
	v27 =	vld.idx.msk [tilespmem:v27+s4+$0x0], $0xffff  }
0x1af: {  	v3 =	vld.idx.msk [tilespmem:v3+s4+$0x0], $0xffff;
	v21 =	vor.u32 v18, v10  }
0x1b0: {  	v31 =	vor.u32 v34, v14;
	v25 =	vld.idx.msk [tilespmem:v57+s4+$0x0], $0xffff;
	v9 =	vadd.s32 v2, v9  }
0x1b1: {  	[tilespmem:v59+s20+$0x0] =	vst.idx.msk $0xffff, v19;
	v2 =	vld [tilespmem:$0x1FFC0];
	v18 =	vor.u32 v18, v9;
	v54 =	vor.u32 v0, v38  }
0x1b2: {  	v57 =	vld [tilespmem:$0x1FEE0];
	[tilespmem:v30+s20+$0x0] =	vst.idx.msk $0xffff, v29;
	v60 =	vor.u32 v0, v37  }
0x1b3: {  	v61 =	vmov v58;
	v58 =	vmov v32;
	v32 =	vor.u32 v34, v13;
	v19 =	vld.idx.msk [tilespmem:v53+s4+$0x0], $0xffff;
	[tilespmem:v22+s20+$0x0] =	vst.idx.msk $0xffff, v15  }
0x1b4: {  	v8 =	vmov v46;
	v59 =	vmov v33;
	v33 =	vor.u32 v28, v39;
	v24 =	vld.idx.msk [tilespmem:v24+s4+$0x0], $0xffff;
	[tilespmem:v21+s20+$0x0] =	vst.idx.msk $0xffff, v3  }
0x1b5: {  	v46 =	vor.u32 v23, v35;
	v15 =	vor.u32 v28, v42;
	[tilespmem:v26+s20+$0x0] =	vst.idx.msk $0xffff, v27;
	v30 =	vld.idx.msk [tilespmem:v31+s4+$0x0], $0xffff  }
0x1b6: {  	v29 =	vor.u32 v2, v41;
	v3 =	vor.u32 s30, v34;
	[tilespmem:v18+s20+$0x0] =	vst.idx.msk $0xffff, v25;
	v28 =	vld.idx.msk [tilespmem:v54+s4+$0x0], $0xffff  }
0x1b7: {  	v22 =	vor.u32 v23, v36;
	v3 =	vand.u32 $0x7F, v3;
	v31 =	vor.u32 v2, v40;
	v25 =	vld.idx.msk [tilespmem:v60+s4+$0x0], $0xffff  }
0x1b8: {  	v4 =	vmov v62;
	v62 =	vld [tilespmem:$0x1FF00];
	v26 =	vor.u32 v3, v10  }
0x1b9: {  	v47 =	vor.u32 v43, v38;
	v32 =	vld.idx.msk [tilespmem:v32+s4+$0x0], $0xffff;
	v3 =	vor.u32 v3, v9;
	[tilespmem:v33+s20+$0x0] =	vst.idx.msk $0xffff, v19  }
0x1ba: {  	v27 =	vor.u32 v43, v37;
	v21 =	vor.u32 s30, v50;
	v54 =	vmov v50;
	[tilespmem:v15+s20+$0x0] =	vst.idx.msk $0xffff, v24;
	v50 =	vld [tilespmem:$0x1FE60]  }
0x1bb: {  	v6 =	vand.u32 $0x7F, v6;
	v19 =	vld.idx.msk [tilespmem:v29+s4+$0x0], $0xffff;
	[tilespmem:v46+s20+$0x0] =	vst.idx.msk $0xffff, v28  }
0x1bc: {  	v48 =	vor.u32 v44, v14;
	v7 =	vor.u32 s30, v43;
	v20 =	vor.u32 s30, v57;
	v31 =	vld.idx.msk [tilespmem:v31+s4+$0x0], $0xffff;
	[tilespmem:v22+s20+$0x0] =	vst.idx.msk $0xffff, v25  }
0x1bd: {  	v43 =	vor.u32 v6, v39;
	v23 =	vor.u32 s30, v2;
	v2 =	vld [tilespmem:$0x1FF50];
	v33 =	vor.u32 v57, v38;
	[tilespmem:v26+s20+$0x0] =	vst.idx.msk $0xffff, v30  }
0x1be: {  	v60 =	vor.u32 v44, v13;
	v29 =	vor.u32 v5, v35;
	[tilespmem:v3+s20+$0x0] =	vst.idx.msk $0xffff, v32;
	v30 =	vld.idx.msk [tilespmem:v47+s4+$0x0], $0xffff  }
0x1bf: {  	v28 =	vor.u32 v5, v36;
	v5 =	vor.u32 s30, v44;
	v26 =	vor.u32 v6, v42;
	v25 =	vld.idx.msk [tilespmem:v27+s4+$0x0], $0xffff  }
0x1c0: {  	v24 =	vor.u32 v50, v41;
	v6 =	vand.u32 $0x7F, v5;
	v27 =	vor.u32 v57, v37;
	v57 =	vld [tilespmem:$0x1FFE0]  }
0x1c1: {  	v47 =	vld.idx.msk [tilespmem:v48+s4+$0x0], $0xffff;
	v22 =	vor.u32 v6, v10  }
0x1c2: {  	v18 =	vld [tilespmem:$0x1FE70];
	v48 =	vor.u32 v50, v40  }
0x1c3: {  	v60 =	vld.idx.msk [tilespmem:v60+s4+$0x0], $0xffff;
	[tilespmem:v43+s20+$0x0] =	vst.idx.msk $0xffff, v19;
	v43 =	vor.u32 v6, v9  }
0x1c4: {  	v19 =	vor.u32 s29, v50;
	v50 =	vld [tilespmem:$0x1FC80];
	[tilespmem:v26+s20+$0x0] =	vst.idx.msk $0xffff, v31  }
0x1c5: {  	v19 =	vand.u32 $0x7F, v19;
	v24 =	vld.idx.msk [tilespmem:v24+s4+$0x0], $0xffff;
	v32 =	vor.u32 v57, v14;
	[tilespmem:v29+s20+$0x0] =	vst.idx.msk $0xffff, v30  }
0x1c6: {  	v15 =	vor.u32 s30, v55;
	v55 =	vmovc v44;
	v44 =	vor.u32 v19, v39;
	[tilespmem:v22+s20+$0x0] =	vst.idx.msk $0xffff, v47;
	v47 =	vor.u32 s30, v0;
	v0 =	vld [tilespmem:$0x1FCF0]  }
0x1c7: {  	v5 =	vor.u32 s30, v45;
	v45 =	vld.idx.msk [tilespmem:v48+s4+$0x0], $0xffff;
	[tilespmem:v28+s20+$0x0] =	vst.idx.msk $0xffff, v25  }
0x1c8: {  	[tilespmem:v43+s20+$0x0] =	vst.idx.msk $0xffff, v60;
	v60 =	vld [tilespmem:$0x1FFF0]  }
0x1c9: {  	v6 =	vmov v23;
	v31 =	vor.u32 v54, v41;
	v23 =	vor.u32 v57, v13;
	v33 =	vld.idx.msk [tilespmem:v33+s4+$0x0], $0xffff  }
0x1ca: {  	v26 =	vand.u32 $0x7F, v50;
	v30 =	vor.u32 v19, v42;
	v22 =	vor.u32 s30, v57;
	v32 =	vld.idx.msk [tilespmem:v32+s4+$0x0], $0xffff  }
0x1cb: {  	v29 =	vor.u32 v26, v35;
	v19 =	vand.u32 $0x7F, v22;
	[tilespmem:v44+s20+$0x0] =	vst.idx.msk $0xffff, v24;
	v24 =	vand.u32 $0x7F, v0;
	v0 =	vld [tilespmem:$0x1FD50]  }
0x1cc: {  	v48 =	vor.u32 s30, v56;
	v56 =	vld [tilespmem:$0x1FE50];
	v25 =	vor.u32 v19, v10  }
0x1cd: {  	v17 =	vor.u32 v1, v38;
	v53 =	vmovc v34;
	v34 =	vor.u32 s30, v2;
	v3 =	vor.u32 s30, v49;
	v57 =	vld [tilespmem:$0x1FE70]  }
0x1ce: {  	v26 =	vor.u32 v26, v36;
	v22 =	vor.u32 v54, v40;
	v27 =	vld.idx.msk [tilespmem:v27+s4+$0x0], $0xffff;
	v44 =	vor.u32 v19, v9  }
0x1cf: {  	v23 =	vld.idx.msk [tilespmem:v23+s4+$0x0], $0xffff;
	[tilespmem:v30+s20+$0x0] =	vst.idx.msk $0xffff, v45;
	v30 =	vor.u32 v2, v41;
	v28 =	vor.u32 v60, v14  }
0x1d0: {  	v31 =	vld.idx.msk [tilespmem:v31+s4+$0x0], $0xffff;
	v49 =	vor.u32 v60, v13;
	[tilespmem:v29+s20+$0x0] =	vst.idx.msk $0xffff, v33;
	v33 =	vor.u32 s30, v60;
	v0 =	vand.u32 $0x7F, v0  }
0x1d1: {  	v19 =	vld [tilespmem:$0x1FD30];
	[tilespmem:v25+s20+$0x0] =	vst.idx.msk $0xffff, v32;
	v50 =	vor.u32 v0, v39;
	v29 =	vor.u32 v0, v42;
	v0 =	vand.u32 $0x7F, v33  }
0x1d2: {  	v25 =	vor.u32 v2, v40;
	v2 =	vmovc v20;
	v20 =	vor.u32 v0, v10;
	v32 =	vor.u32 v0, v9;
	v0 =	vld [tilespmem:$0x1FD70]  }
0x1d3: {  	v45 =	vld [tilespmem:$0x1FE40]  }
0x1d4: {  	v16 =	vor.u32 v1, v37;
	v22 =	vld.idx.msk [tilespmem:v22+s4+$0x0], $0xffff  }
0x1d5: {  	[tilespmem:v26+s20+$0x0] =	vst.idx.msk $0xffff, v27;
	v17 =	vld.idx.msk [tilespmem:v17+s4+$0x0], $0xffff  }
0x1d6: {  	v54 =	vor.u32 v24, v35;
	[tilespmem:v44+s20+$0x0] =	vst.idx.msk $0xffff, v23;
	v28 =	vld.idx.msk [tilespmem:v28+s4+$0x0], $0xffff  }
0x1d7: {  	v11 =	vor.u32 v63, v38;
	[tilespmem:$0x1FD30] =	vst v2;
	v27 =	vld.idx.msk [tilespmem:v49+s4+$0x0], $0xffff;
	v49 =	vand.u32 $0x7F, v0;
	v0 =	vmov v21  }
0x1d8: {  	v51 =	vor.u32 v12, v38;
	v24 =	vor.u32 v24, v36;
	v44 =	vmov v55;
	v55 =	vld [tilespmem:$0x1FEA0];
	[tilespmem:v50+s20+$0x0] =	vst.idx.msk $0xffff, v31  }
0x1d9: {  	v43 =	vor.u32 s30, v1;
	v1 =	vmovc v19;
	v19 =	vor.u32 s30, v63;
	v16 =	vld.idx.msk [tilespmem:v16+s4+$0x0], $0xffff;
	v2 =	vor.u32 s28, v12;
	[tilespmem:v29+s20+$0x0] =	vst.idx.msk $0xffff, v22  }
0x1da: {  	v23 =	vor.u32 v12, v37;
	v26 =	vor.u32 v45, v14;
	v22 =	vand.u32 $0x7F, v2;
	v2 =	vld [tilespmem:$0x1FDE0];
	[tilespmem:$0x1FD50] =	vst v0;
	v0 =	vmovc v34  }
0x1db: {  	v31 =	vor.u32 v63, v37;
	v29 =	vor.u32 v57, v41;
	v30 =	vld.idx.msk [tilespmem:v30+s4+$0x0], $0xffff;
	[tilespmem:v54+s20+$0x0] =	vst.idx.msk $0xffff, v17  }
0x1dc: {  	v21 =	vor.u32 v45, v13;
	v25 =	vld.idx.msk [tilespmem:v25+s4+$0x0], $0xffff;
	v63 =	vor.u32 v49, v39;
	[tilespmem:v20+s20+$0x0] =	vst.idx.msk $0xffff, v28  }
0x1dd: {  	v28 =	vor.u32 v49, v42;
	v49 =	vor.u32 v57, v40;
	v57 =	vld [tilespmem:$0x1FEC0];
	[tilespmem:$0x1FD70] =	vst v0;
	v0 =	vmov v43  }
0x1de: {  	[tilespmem:$0x1FDE0] =	vst v0;
	v0 =	vld [tilespmem:$0x1FD90]  }
0x1df: {  	[tilespmem:v24+s20+$0x0] =	vst.idx.msk $0xffff, v16;
	v12 =	vld.idx.msk [tilespmem:v51+s4+$0x0], $0xffff  }
0x1e0: {  	v17 =	vor.u32 v22, v35;
	v20 =	vor.u32 s30, v45;
	[tilespmem:v32+s20+$0x0] =	vst.idx.msk $0xffff, v27;
	v26 =	vld.idx.msk [tilespmem:v26+s4+$0x0], $0xffff  }
0x1e1: {  	[tilespmem:$0x1FC80] =	vst v1;
	v22 =	vor.u32 v22, v36;
	v20 =	vand.u32 $0x7F, v20;
	v23 =	vld.idx.msk [tilespmem:v23+s4+$0x0], $0xffff;
	v2 =	vmov v2  }
0x1e2: {  	v16 =	vor.u32 v20, v10;
	[tilespmem:$0x1FCF0] =	vst v2;
	v21 =	vld.idx.msk [tilespmem:v21+s4+$0x0], $0xffff  }
0x1e3: {  	v20 =	vor.u32 v20, v9;
	[tilespmem:v63+s20+$0x0] =	vst.idx.msk $0xffff, v30;
	v2 =	vand.u32 $0x7F, v0;
	v0 =	vld [tilespmem:$0x1FD00]  }
0x1e4: {  	v1 =	vld [tilespmem:$0x1FF90];
	[tilespmem:v28+s20+$0x0] =	vst.idx.msk $0xffff, v25  }
0x1e5: {  	v29 =	vld.idx.msk [tilespmem:v29+s4+$0x0], $0xffff;
	[tilespmem:v17+s20+$0x0] =	vst.idx.msk $0xffff, v12  }
0x1e6: {  	v54 =	vor.u32 v56, v13;
	v51 =	vor.u32 v56, v14;
	v33 =	vld.idx.msk [tilespmem:v49+s4+$0x0], $0xffff;
	[tilespmem:v22+s20+$0x0] =	vst.idx.msk $0xffff, v23  }
0x1e7: {  	v18 =	vor.u32 s30, v18;
	v43 =	vld [tilespmem:$0x1FE80];
	v27 =	vor.u32 v57, v38;
	[tilespmem:v16+s20+$0x0] =	vst.idx.msk $0xffff, v26;
	v63 =	vor.u32 v2, v39  }
0x1e8: {  	v38 =	vmov v41;
	v11 =	vld.idx.msk [tilespmem:v11+s4+$0x0], $0xffff;
	[tilespmem:v20+s20+$0x0] =	vst.idx.msk $0xffff, v21;
	v17 =	vor.u32 v2, v42;
	v45 =	vand.u32 $0x7F, v0  }
0x1e9: {  	v28 =	vor.u32 v62, v38;
	v16 =	vor.u32 s30, v56;
	v20 =	vld.idx.msk [tilespmem:v31+s4+$0x0], $0xffff;
	v0 =	vmovc v18;
	v12 =	vor.u32 v45, v35  }
0x1ea: {  	v49 =	vor.u32 v62, v40;
	v16 =	vand.u32 $0x7F, v16;
	[tilespmem:$0x1FD90] =	vst v0;
	v21 =	vor.u32 v45, v36;
	v0 =	vld [tilespmem:$0x1FC20]  }
0x1eb: {  	v41 =	vmov v14;
	v14 =	vld.idx.msk [tilespmem:v51+s4+$0x0], $0xffff;
	v18 =	vor.u32 v16, v10  }
0x1ec: {  	v34 =	vmov v53;
	v53 =	vld [tilespmem:$0x1FEB0];
	v30 =	vor.u32 v57, v37;
	[tilespmem:v63+s20+$0x0] =	vst.idx.msk $0xffff, v29  }
0x1ed: {  	v22 =	vor.u32 v43, v41;
	v23 =	vld.idx.msk [tilespmem:v54+s4+$0x0], $0xffff;
	v16 =	vor.u32 v16, v9;
	[tilespmem:v17+s20+$0x0] =	vst.idx.msk $0xffff, v33  }
0x1ee: {  	v54 =	vor.u32 v1, v37;
	v37 =	vmov v40;
	v40 =	vmov v13;
	v26 =	vld.idx.msk [tilespmem:v28+s4+$0x0], $0xffff;
	[tilespmem:v12+s20+$0x0] =	vst.idx.msk $0xffff, v11  }
0x1ef: {  	v13 =	vor.u32 v43, v40;
	v24 =	vld.idx.msk [tilespmem:v49+s4+$0x0], $0xffff;
	v28 =	vand.u32 $0x7F, v0;
	[tilespmem:v21+s20+$0x0] =	vst.idx.msk $0xffff, v20  }
0x1f0: {  	v50 =	vld [tilespmem:$0x1FE90];
	v29 =	vor.u32 s28, v57;
	v0 =	vmov v61;
	v31 =	vor.u32 v28, v39;
	[tilespmem:v18+s20+$0x0] =	vst.idx.msk $0xffff, v14  }
0x1f1: {  	v17 =	vand.u32 $0x7F, v29;
	v29 =	vor.u32 v53, v38;
	v14 =	vor.u32 v28, v42;
	[tilespmem:$0x1FD00] =	vst v0;
	v0 =	vld [tilespmem:$0x1FC40]  }
0x1f2: {  	v11 =	vor.u32 v17, v35;
	v12 =	vor.u32 s30, v43;
	[tilespmem:v16+s20+$0x0] =	vst.idx.msk $0xffff, v23;
	v18 =	vld.idx.msk [tilespmem:v27+s4+$0x0], $0xffff  }
0x1f3: {  	v17 =	vor.u32 v17, v36;
	v12 =	vand.u32 $0x7F, v12;
	v27 =	vor.u32 v53, v37;
	v16 =	vld.idx.msk [tilespmem:v30+s4+$0x0], $0xffff  }
0x1f4: {  	v22 =	vld.idx.msk [tilespmem:v22+s4+$0x0], $0xffff;
	v20 =	vor.u32 v12, v10  }
0x1f5: {  	v13 =	vld.idx.msk [tilespmem:v13+s4+$0x0], $0xffff;
	v12 =	vor.u32 v12, v9;
	[tilespmem:v31+s20+$0x0] =	vst.idx.msk $0xffff, v26  }
0x1f6: {  	v57 =	vld [tilespmem:$0x1FC30];
	[tilespmem:v14+s20+$0x0] =	vst.idx.msk $0xffff, v24  }
0x1f7: {  	s28 =	smov.u32 s29;
	v21 =	vor.u32 v58, v41;
	v26 =	vld.idx.msk [tilespmem:v29+s4+$0x0], $0xffff;
	[tilespmem:v11+s20+$0x0] =	vst.idx.msk $0xffff, v18  }
0x1f8: {  	v32 =	vmov v58;
	v23 =	vor.u32 s28, v53;
	v27 =	vld.idx.msk [tilespmem:v27+s4+$0x0], $0xffff;
	[tilespmem:v17+s20+$0x0] =	vst.idx.msk $0xffff, v16  }
0x1f9: {  	v58 =	vmovc v19;
	v19 =	vand.u32 $0x7F, v23;
	v23 =	vor.u32 v32, v40;
	v14 =	vand.u32 $0x7F, v0;
	v0 =	vld [tilespmem:$0x1FE20];
	[tilespmem:v20+s20+$0x0] =	vst.idx.msk $0xffff, v22  }
0x1fa: {  	v28 =	vor.u32 v19, v39;
	[tilespmem:v12+s20+$0x0] =	vst.idx.msk $0xffff, v13;
	v13 =	vand.u32 $0x7F, v4;
	v4 =	vld [tilespmem:$0x1FC50]  }
0x1fb: {  	s31 =	sadd.s32 $0x2, s31;
	v46 =	vor.u32 s30, v62;
	v60 =	vor.u32 s30, v1;
	v29 =	vor.u32 v19, v42;
	v8 =	vld.idx.msk [tilespmem:v8+s4+$0x0], $0xffff  }
0x1fc: {  	p0 =	slt.u32 s31, $0x26;
	v62 =	vor.u32 v55, v38;
	v61 =	vmovc v7;
	v7 =	vor.u32 s30, v32;
	v11 =	vor.u32 v14, v36;
	v18 =	vld.idx.msk [tilespmem:v21+s4+$0x0], $0xffff  }
.Ltmp9:
0x1fd: {  	v33 =	vmovc v59;
	v36 =	vmovc v42;
	v42 =	vmov v9;
	v9 =	vor.u32 v14, v35;
	v22 =	vand.u32 $0x7F, v7;
	v17 =	vld.idx.msk [tilespmem:v54+s4+$0x0], $0xffff;
	(pc) =	sbr.rel @p0 .LBB2_10-.Ltmp9, $4  }
0x1fe: {  	v63 =	vmovc v46;
	v35 =	vmovc v39;
	v39 =	vmov v10;
	v20 =	vor.u32 v22, v10;
	v19 =	vld.idx.msk [tilespmem:v23+s4+$0x0], $0xffff;
	v23 =	vor.u32 s30, v59  }
0x1ff: {  	s2 =	sadd.s32 $0x1, s2;
	v21 =	vor.u32 v59, v41;
	v10 =	vand.u32 $0x7F, v23;
	v23 =	vor.u32 v59, v40;
	v59 =	vld [tilespmem:$0x1FF70];
	[tilespmem:v28+s20+$0x0] =	vst.idx.msk $0xffff, v26  }
0x200: {  	s0 =	sshll.u32 s2, $0xA;
	v46 =	vor.u32 v1, v38;
	v30 =	vmovc v52;
	v31 =	vlaneseq.u32;
	v7 =	vor.u32 v55, v37;
	[tilespmem:v29+s20+$0x0] =	vst.idx.msk $0xffff, v27;
	v29 =	vld [tilespmem:$0x1FFB0]  }
0x201: {  	s29 =	smov.u32 s30;
	v22 =	vor.u32 v22, v42;
	v14 =	vor.u32 v13, v35;
	v12 =	vadd.s32 s0, v0;
	v16 =	vld.idx.msk [tilespmem:v62+s4+$0x0], $0xffff;
	v62 =	vmovc v15  }
0x202: {  	v15 =	vor.u32 v30, v12  }
0x203: {  	v15 =	vbroadcast v15, $0x0;
	_ =	sdelay $0x1  }
0x204: {  	v15 =	vor.u32 v31, v15  }
0x205: {  	v12 =	vor.u32 v29, v12  }
0x206: {  	v12 =	vbroadcast v12, $0x0;
	_ =	sdelay $0x1  }
0x207: {  	v12 =	vor.u32 v31, v12  }
0x208: {  	v15 =	vld.idx.msk [tilespmem:v15+s15+$0x0], $0xffff;
	_ =	sdelay $0x3  }
0x209: {  	v12 =	vld.idx.msk [tilespmem:v12+s15+$0x0], $0xffff  }
0x20a: {  	v0 =	vld [tilespmem:$0x1FCB0];
	v51 =	vshll.u32 v15, $0x5  }
0x20b: {  	s31 =	sadd.s32 $0x20, s30;
	v15 =	vor.u32 v31, v51  }
0x20c: {  	v24 =	vmov s31  }
0x20d: {  	v24 =	vshll.u32 v24, $0x3  }
0x20e: {  	v24 =	vand.u32 $0x1C00, v24;
	v1 =	vshll.u32 v12, $0x5;
	v12 =	vor.u32 s31, v31  }
0x20f: {  	v52 =	vld [tilespmem:$0x1FCA0];
	v49 =	vadd.s32 v0, v24;
	v25 =	vor.u32 v31, v1;
	v12 =	vand.u32 $0x6F, v12  }
0x210: {  	v26 =	vor.u32 v12, v49;
	v15 =	vld.idx.msk [tilespmem:v15+s4+$0x0], $0xffff  }
0x211: {  	v27 =	vor.u32 v34, v51;
	_ =	sdelay $0x2  }
0x212: {  	v0 =	vadd.s32 v52, v24;
	v24 =	vld.idx.msk [tilespmem:v25+s4+$0x0], $0xffff;
	v25 =	vor.u32 s31, v34  }
0x213: {  	v12 =	vor.u32 v12, v0;
	v25 =	vand.u32 $0x7F, v25;
	[tilespmem:v26+s20+$0x0] =	vst.idx.msk $0xffff, v15  }
0x214: {  	v28 =	vor.u32 v34, v1;
	v26 =	vor.u32 v25, v49;
	v15 =	vld.idx.msk [tilespmem:v27+s4+$0x0], $0xffff  }
0x215: {  	v27 =	vor.u32 v44, v51;
	_ =	sdelay $0x2  }
0x216: {  	[tilespmem:v12+s20+$0x0] =	vst.idx.msk $0xffff, v24  }
0x217: {  	v24 =	vor.u32 v25, v0;
	v25 =	vor.u32 s31, v44;
	v12 =	vld.idx.msk [tilespmem:v28+s4+$0x0], $0xffff;
	[tilespmem:v26+s20+$0x0] =	vst.idx.msk $0xffff, v15  }
0x218: {  	v25 =	vand.u32 $0x7F, v25;
	v15 =	vld.idx.msk [tilespmem:v27+s4+$0x0], $0xffff  }
0x219: {  	v26 =	vor.u32 v25, v49;
	v2 =	vld [tilespmem:$0x1FFE0];
	_ =	sdelay $0x3  }
0x21a: {  	v28 =	vor.u32 v44, v1;
	[tilespmem:v24+s20+$0x0] =	vst.idx.msk $0xffff, v12  }
0x21b: {  	v27 =	vor.u32 v2, v51;
	[tilespmem:v26+s20+$0x0] =	vst.idx.msk $0xffff, v15  }
0x21c: {  	v54 =	vld [tilespmem:$0x1FFF0];
	_ =	sdelay $0x1  }
0x21d: {  	v24 =	vor.u32 v25, v0;
	v25 =	vor.u32 s31, v2  }
0x21e: {  	v12 =	vld.idx.msk [tilespmem:v28+s4+$0x0], $0xffff;
	v25 =	vand.u32 $0x7F, v25  }
0x21f: {  	v28 =	vor.u32 v2, v1;
	v26 =	vor.u32 v25, v49;
	v15 =	vld.idx.msk [tilespmem:v27+s4+$0x0], $0xffff  }
0x220: {  	v27 =	vor.u32 v54, v51;
	_ =	sdelay $0x2  }
0x221: {  	[tilespmem:v24+s20+$0x0] =	vst.idx.msk $0xffff, v12  }
0x222: {  	v24 =	vor.u32 v25, v0;
	v12 =	vld.idx.msk [tilespmem:v28+s4+$0x0], $0xffff;
	v25 =	vor.u32 s31, v54;
	[tilespmem:v26+s20+$0x0] =	vst.idx.msk $0xffff, v15  }
0x223: {  	v25 =	vand.u32 $0x7F, v25;
	v15 =	vld.idx.msk [tilespmem:v27+s4+$0x0], $0xffff  }
0x224: {  	v28 =	vor.u32 v54, v1;
	v26 =	vor.u32 v25, v49;
	v45 =	vld [tilespmem:$0x1FE40];
	_ =	sdelay $0x3  }
0x225: {  	[tilespmem:v24+s20+$0x0] =	vst.idx.msk $0xffff, v12  }
0x226: {  	v24 =	vor.u32 v25, v0;
	v12 =	vld.idx.msk [tilespmem:v28+s4+$0x0], $0xffff;
	v27 =	vor.u32 v45, v51;
	[tilespmem:v26+s20+$0x0] =	vst.idx.msk $0xffff, v15  }
0x227: {  	v28 =	vor.u32 v45, v1;
	v56 =	vld [tilespmem:$0x1FE50];
	_ =	sdelay $0x1  }
0x228: {  	v25 =	vor.u32 s31, v45  }
0x229: {  	v25 =	vand.u32 $0x7F, v25  }
0x22a: {  	[tilespmem:v24+s20+$0x0] =	vst.idx.msk $0xffff, v12;
	v26 =	vor.u32 v25, v49;
	v15 =	vld.idx.msk [tilespmem:v27+s4+$0x0], $0xffff  }
0x22b: {  	v24 =	vor.u32 v25, v0;
	v12 =	vld.idx.msk [tilespmem:v28+s4+$0x0], $0xffff;
	v27 =	vor.u32 v56, v51  }
0x22c: {  	v28 =	vor.u32 v56, v1;
	_ =	sdelay $0x1  }
0x22d: {  	v25 =	vor.u32 s31, v56  }
0x22e: {  	v25 =	vand.u32 $0x7F, v25;
	[tilespmem:v26+s20+$0x0] =	vst.idx.msk $0xffff, v15  }
0x22f: {  	v26 =	vor.u32 v25, v49;
	[tilespmem:v24+s20+$0x0] =	vst.idx.msk $0xffff, v12;
	v15 =	vld.idx.msk [tilespmem:v27+s4+$0x0], $0xffff  }
0x230: {  	v24 =	vor.u32 v25, v0;
	v12 =	vld.idx.msk [tilespmem:v28+s4+$0x0], $0xffff  }
0x231: {  	v27 =	vor.u32 v43, v51  }
0x232: {  	[tilespmem:v20+s20+$0x0] =	vst.idx.msk $0xffff, v18  }
0x233: {  	v2 =	vor.u32 v10, v42;
	[tilespmem:v22+s20+$0x0] =	vst.idx.msk $0xffff, v19;
	v21 =	vld.idx.msk [tilespmem:v21+s4+$0x0], $0xffff  }
0x234: {  	v22 =	vld.idx.msk [tilespmem:v23+s4+$0x0], $0xffff;
	v25 =	vor.u32 s31, v43;
	[tilespmem:v26+s20+$0x0] =	vst.idx.msk $0xffff, v15;
	v15 =	vor.u32 v43, v1  }
0x235: {  	v25 =	vand.u32 $0x7F, v25;
	v26 =	vor.u32 v10, v39;
	[tilespmem:v24+s20+$0x0] =	vst.idx.msk $0xffff, v12;
	v12 =	vor.u32 v59, v40  }
0x236: {  	v19 =	vor.u32 v59, v41;
	v20 =	vor.u32 v25, v49;
	v18 =	vld.idx.msk [tilespmem:v27+s4+$0x0], $0xffff  }
0x237: {  	v27 =	vor.u32 v32, v51;
	_ =	sdelay $0x1  }
0x238: {  	[tilespmem:v2+s20+$0x0] =	vst.idx.msk $0xffff, v22;
	v23 =	vor.u32 v25, v0;
	v25 =	vor.u32 s30, v59;
	v15 =	vld.idx.msk [tilespmem:v15+s4+$0x0], $0xffff  }
0x239: {  	[tilespmem:v26+s20+$0x0] =	vst.idx.msk $0xffff, v21;
	v21 =	vand.u32 $0x7F, v25;
	v12 =	vld.idx.msk [tilespmem:v12+s4+$0x0], $0xffff  }
0x23a: {  	v24 =	vor.u32 s31, v32;
	[tilespmem:v20+s20+$0x0] =	vst.idx.msk $0xffff, v18;
	v19 =	vld.idx.msk [tilespmem:v19+s4+$0x0], $0xffff;
	v26 =	vor.u32 v21, v39  }
0x23b: {  	v20 =	vand.u32 $0x7F, v24;
	v21 =	vor.u32 v21, v42;
	v24 =	vld.idx.msk [tilespmem:v27+s4+$0x0], $0xffff  }
0x23c: {  	v25 =	vor.u32 v20, v49;
	v56 =	vld [tilespmem:$0x1FF80];
	_ =	sdelay $0x1  }
0x23d: {  	[tilespmem:v23+s20+$0x0] =	vst.idx.msk $0xffff, v15  }
0x23e: {  	v18 =	vor.u32 v32, v1;
	[tilespmem:v26+s20+$0x0] =	vst.idx.msk $0xffff, v19  }
0x23f: {  	v27 =	vor.u32 v33, v51;
	[tilespmem:v21+s20+$0x0] =	vst.idx.msk $0xffff, v12  }
0x240: {  	v52 =	vor.u32 v56, v41;
	[tilespmem:v25+s20+$0x0] =	vst.idx.msk $0xffff, v24  }
0x241: {  	v28 =	vmov v0;
	v20 =	vor.u32 v20, v0;
	v15 =	vor.u32 v56, v40;
	v0 =	vld [tilespmem:$0x1FFD0]  }
0x242: {  	v22 =	vor.u32 s31, v33  }
0x243: {  	v22 =	vand.u32 $0x7F, v22;
	v18 =	vld.idx.msk [tilespmem:v18+s4+$0x0], $0xffff;
	v23 =	vor.u32 s30, v56  }
0x244: {  	v24 =	vor.u32 v33, v1;
	v25 =	vor.u32 v22, v49;
	v19 =	vand.u32 $0x7F, v23;
	v23 =	vld.idx.msk [tilespmem:v27+s4+$0x0], $0xffff  }
0x245: {  	v27 =	vor.u32 v59, v51;
	v26 =	vor.u32 v19, v39;
	v10 =	vld.idx.msk [tilespmem:v52+s4+$0x0], $0xffff  }
0x246: {  	v19 =	vor.u32 v19, v42;
	v15 =	vld.idx.msk [tilespmem:v15+s4+$0x0], $0xffff;
	v12 =	vor.u32 v0, v41;
	_ =	sdelay $0x1  }
0x247: {  	[tilespmem:v20+s20+$0x0] =	vst.idx.msk $0xffff, v18;
	v18 =	vor.u32 v0, v40  }
0x248: {  	v21 =	vor.u32 v22, v28;
	v22 =	vor.u32 s31, v59;
	v20 =	vld.idx.msk [tilespmem:v24+s4+$0x0], $0xffff;
	[tilespmem:v25+s20+$0x0] =	vst.idx.msk $0xffff, v23  }
0x249: {  	v22 =	vand.u32 $0x7F, v22;
	v54 =	vld.idx.msk [tilespmem:v27+s4+$0x0], $0xffff;
	[tilespmem:v26+s20+$0x0] =	vst.idx.msk $0xffff, v10  }
0x24a: {  	v4 =	vand.u32 $0x7F, v4;
	v24 =	vor.u32 v22, v49;
	[tilespmem:v19+s20+$0x0] =	vst.idx.msk $0xffff, v15;
	v12 =	vld.idx.msk [tilespmem:v12+s4+$0x0], $0xffff  }
0x24b: {  	v45 =	vmov v1;
	v23 =	vor.u32 v59, v1;
	v25 =	vor.u32 v4, v39;
	v1 =	vld [tilespmem:$0x1FFC0]  }
0x24c: {  	v4 =	vor.u32 v4, v42;
	v18 =	vld.idx.msk [tilespmem:v18+s4+$0x0], $0xffff  }
0x24d: {  	[tilespmem:v21+s20+$0x0] =	vst.idx.msk $0xffff, v20  }
0x24e: {  	[tilespmem:v11+s20+$0x0] =	vst.idx.msk $0xffff, v17  }
0x24f: {  	[tilespmem:v24+s20+$0x0] =	vst.idx.msk $0xffff, v54  }
0x250: {  	v26 =	vor.u32 v56, v51;
	[tilespmem:v25+s20+$0x0] =	vst.idx.msk $0xffff, v12  }
0x251: {  	v20 =	vld.idx.msk [tilespmem:v23+s4+$0x0], $0xffff;
	v15 =	vor.u32 v1, v41;
	[tilespmem:v4+s20+$0x0] =	vst.idx.msk $0xffff, v18  }
0x252: {  	v21 =	vor.u32 v22, v28;
	v24 =	vld [tilespmem:$0x1FE60]  }
0x253: {  	v52 =	vor.u32 v56, v45;
	v22 =	vor.u32 s31, v56  }
0x254: {  	v22 =	vand.u32 $0x7F, v22;
	v19 =	vor.u32 v1, v40  }
0x255: {  	v6 =	vand.u32 $0x7F, v6;
	v23 =	vor.u32 v22, v49;
	v12 =	vld.idx.msk [tilespmem:v26+s4+$0x0], $0xffff  }
0x256: {  	v17 =	vor.u32 v0, v51;
	v54 =	vld.idx.msk [tilespmem:v15+s4+$0x0], $0xffff;
	v15 =	vor.u32 v6, v39  }
0x257: {  	[tilespmem:v21+s20+$0x0] =	vst.idx.msk $0xffff, v20;
	v2 =	vor.u32 v24, v41  }
0x258: {  	v10 =	vld.idx.msk [tilespmem:v52+s4+$0x0], $0xffff  }
0x259: {  	v21 =	vor.u32 v22, v28;
	v18 =	vld.idx.msk [tilespmem:v19+s4+$0x0], $0xffff;
	v19 =	vor.u32 s31, v0  }
0x25a: {  	v6 =	vor.u32 v6, v42;
	[tilespmem:v23+s20+$0x0] =	vst.idx.msk $0xffff, v12;
	v12 =	vor.u32 s29, v24;
	v19 =	vand.u32 $0x7F, v19  }
0x25b: {  	v52 =	vand.u32 $0x7F, v12;
	v12 =	vld.idx.msk [tilespmem:v17+s4+$0x0], $0xffff;
	[tilespmem:v15+s20+$0x0] =	vst.idx.msk $0xffff, v54;
	v15 =	vor.u32 v19, v49  }
0x25c: {  	[tilespmem:v14+s20+$0x0] =	vst.idx.msk $0xffff, v16;
	v14 =	vor.u32 v52, v39;
	v4 =	vld.idx.msk [tilespmem:v2+s4+$0x0], $0xffff;
	_ =	sdelay $0x1  }
0x25d: {  	[tilespmem:v21+s20+$0x0] =	vst.idx.msk $0xffff, v10  }
0x25e: {  	v20 =	vor.u32 v24, v40;
	[tilespmem:v6+s20+$0x0] =	vst.idx.msk $0xffff, v18  }
0x25f: {  	v22 =	vor.u32 v0, v45;
	v6 =	vld.idx.msk [tilespmem:v7+s4+$0x0], $0xffff;
	v54 =	vor.u32 v13, v36;
	[tilespmem:v15+s20+$0x0] =	vst.idx.msk $0xffff, v12  }
0x260: {  	[tilespmem:v14+s20+$0x0] =	vst.idx.msk $0xffff, v4  }
0x261: {  	v11 =	vor.u32 v52, v42;
	v52 =	vld [tilespmem:$0x1FD50]  }
0x262: {  	v16 =	vor.u32 v1, v51  }
0x263: {  	v13 =	vor.u32 v50, v41;
	v17 =	vld.idx.msk [tilespmem:v20+s4+$0x0], $0xffff  }
0x264: {  	v20 =	vld.idx.msk [tilespmem:v22+s4+$0x0], $0xffff;
	[tilespmem:v54+s20+$0x0] =	vst.idx.msk $0xffff, v6  }
0x265: {  	v54 =	vld [tilespmem:$0x1FC60]  }
0x266: {  	v2 =	vor.u32 s31, v1;
	v0 =	vand.u32 $0x7F, v52;
	v52 =	vld [tilespmem:$0x1FC90]  }
0x267: {  	v19 =	vor.u32 v19, v28;
	v10 =	vand.u32 $0x7F, v2;
	v4 =	vld.idx.msk [tilespmem:v16+s4+$0x0], $0xffff  }
0x268: {  	v14 =	vor.u32 v10, v49;
	v6 =	vld.idx.msk [tilespmem:v13+s4+$0x0], $0xffff  }
0x269: {  	v25 =	vld [tilespmem:$0x1FF10];
	v7 =	vor.u32 v0, v39  }
0x26a: {  	[tilespmem:v11+s20+$0x0] =	vst.idx.msk $0xffff, v17  }
0x26b: {  	v12 =	vor.u32 v1, v45;
	v21 =	vand.u32 $0x7F, v52;
	v52 =	vld [tilespmem:$0x1FF50]  }
0x26c: {  	v18 =	vor.u32 v50, v40;
	[tilespmem:v19+s20+$0x0] =	vst.idx.msk $0xffff, v20  }
0x26d: {  	v13 =	vor.u32 v24, v51;
	v23 =	vld [tilespmem:$0x1FF20];
	[tilespmem:v14+s20+$0x0] =	vst.idx.msk $0xffff, v4  }
0x26e: {  	v15 =	vor.u32 v25, v37;
	v16 =	vld.idx.msk [tilespmem:v54+s4+$0x0], $0xffff;
	v11 =	vor.u32 v21, v35;
	[tilespmem:v7+s20+$0x0] =	vst.idx.msk $0xffff, v6  }
0x26f: {  	v54 =	vld [tilespmem:$0x1FD70]  }
0x270: {  	v10 =	vor.u32 v10, v28;
	v12 =	vld.idx.msk [tilespmem:v12+s4+$0x0], $0xffff;
	v17 =	vor.u32 v52, v41  }
0x271: {  	v18 =	vld.idx.msk [tilespmem:v18+s4+$0x0], $0xffff;
	v20 =	vor.u32 s31, v24  }
0x272: {  	v0 =	vor.u32 v0, v42;
	v14 =	vand.u32 $0x7F, v20;
	v6 =	vld.idx.msk [tilespmem:v13+s4+$0x0], $0xffff  }
0x273: {  	v7 =	vor.u32 v14, v49;
	v13 =	vld.idx.msk [tilespmem:v15+s4+$0x0], $0xffff;
	[tilespmem:v11+s20+$0x0] =	vst.idx.msk $0xffff, v16  }
0x274: {  	v4 =	vor.u32 v24, v45;
	v15 =	vor.u32 v21, v36;
	v1 =	vand.u32 $0x7F, v54;
	v11 =	vld [tilespmem:$0x1FCD0]  }
0x275: {  	v19 =	vor.u32 v23, v38;
	[tilespmem:v10+s20+$0x0] =	vst.idx.msk $0xffff, v12;
	v16 =	vld.idx.msk [tilespmem:v17+s4+$0x0], $0xffff;
	v17 =	vor.u32 v1, v39  }
0x276: {  	v22 =	vld [tilespmem:$0x1FE70]  }
0x277: {  	[tilespmem:v0+s20+$0x0] =	vst.idx.msk $0xffff, v18  }
0x278: {  	v21 =	vor.u32 v50, v51;
	[tilespmem:v7+s20+$0x0] =	vst.idx.msk $0xffff, v6  }
0x279: {  	v20 =	vor.u32 v52, v40;
	v4 =	vld.idx.msk [tilespmem:v4+s4+$0x0], $0xffff;
	[tilespmem:v15+s20+$0x0] =	vst.idx.msk $0xffff, v13  }
0x27a: {  	v14 =	vor.u32 v14, v28;
	v54 =	vor.u32 s31, v50;
	v19 =	vld.idx.msk [tilespmem:v19+s4+$0x0], $0xffff;
	v11 =	vand.u32 $0x7F, v11;
	[tilespmem:v17+s20+$0x0] =	vst.idx.msk $0xffff, v16  }
0x27b: {  	v0 =	vand.u32 $0x7F, v54;
	v10 =	vor.u32 v11, v35;
	v12 =	vor.u32 v22, v41;
	v54 =	vld [tilespmem:$0x1FD90];
	_ =	sdelay $0x1  }
0x27c: {  	v7 =	vor.u32 v50, v45;
	v15 =	vld.idx.msk [tilespmem:v21+s4+$0x0], $0xffff  }
0x27d: {  	v13 =	vor.u32 v23, v37;
	v18 =	vor.u32 v0, v49;
	v6 =	vld.idx.msk [tilespmem:v20+s4+$0x0], $0xffff  }
0x27e: {  	v1 =	vor.u32 v1, v42;
	v16 =	vor.u32 v52, v51;
	v21 =	vld [tilespmem:$0x1FEF0];
	[tilespmem:v14+s20+$0x0] =	vst.idx.msk $0xffff, v4  }
0x27f: {  	[tilespmem:v10+s20+$0x0] =	vst.idx.msk $0xffff, v19;
	v10 =	vld.idx.msk [tilespmem:v12+s4+$0x0], $0xffff;
	v2 =	vand.u32 $0x7F, v54  }
0x280: {  	v19 =	vor.u32 v22, v40;
	v20 =	vld [tilespmem:$0x1FF00];
	v12 =	vor.u32 v2, v39  }
0x281: {  	v0 =	vor.u32 v0, v28;
	v7 =	vld.idx.msk [tilespmem:v7+s4+$0x0], $0xffff;
	v54 =	vor.u32 s31, v52  }
0x282: {  	v13 =	vld.idx.msk [tilespmem:v13+s4+$0x0], $0xffff;
	[tilespmem:v18+s20+$0x0] =	vst.idx.msk $0xffff, v15;
	v4 =	vand.u32 $0x7F, v54  }
0x283: {  	[tilespmem:v1+s20+$0x0] =	vst.idx.msk $0xffff, v6;
	v6 =	vld.idx.msk [tilespmem:v16+s4+$0x0], $0xffff;
	v16 =	vor.u32 v4, v49  }
0x284: {  	v11 =	vor.u32 v11, v36;
	v15 =	vor.u32 v52, v45;
	v1 =	vld [tilespmem:$0x1FCE0]  }
0x285: {  	v2 =	vor.u32 v2, v42;
	v19 =	vld.idx.msk [tilespmem:v19+s4+$0x0], $0xffff;
	v14 =	vor.u32 v20, v41;
	[tilespmem:v12+s20+$0x0] =	vst.idx.msk $0xffff, v10  }
0x286: {  	v12 =	vld [tilespmem:$0x1FCC0];
	[tilespmem:v0+s20+$0x0] =	vst.idx.msk $0xffff, v7  }
0x287: {  	v17 =	vor.u32 v21, v38;
	[tilespmem:v9+s20+$0x0] =	vst.idx.msk $0xffff, v8  }
0x288: {  	v18 =	vor.u32 v21, v37;
	v54 =	vand.u32 $0x7F, v63;
	[tilespmem:v16+s20+$0x0] =	vst.idx.msk $0xffff, v6  }
0x289: {  	v4 =	vor.u32 v4, v28;
	v10 =	vor.u32 v22, v51;
	[tilespmem:v11+s20+$0x0] =	vst.idx.msk $0xffff, v13;
	v15 =	vld.idx.msk [tilespmem:v15+s4+$0x0], $0xffff  }
0x28a: {  	v6 =	vor.u32 v54, v39;
	v16 =	vor.u32 v22, v45;
	[tilespmem:v2+s20+$0x0] =	vst.idx.msk $0xffff, v19;
	v14 =	vld.idx.msk [tilespmem:v14+s4+$0x0], $0xffff  }
0x28b: {  	v11 =	vor.u32 v53, v41;
	v63 =	vld [tilespmem:$0x1FFA0];
	v12 =	vand.u32 $0x7F, v12  }
0x28c: {  	v17 =	vld.idx.msk [tilespmem:v17+s4+$0x0], $0xffff;
	v7 =	vor.u32 v20, v40;
	v8 =	vor.u32 s31, v22;
	v0 =	vor.u32 v12, v35  }
0x28d: {  	v8 =	vand.u32 $0x7F, v8;
	v18 =	vld.idx.msk [tilespmem:v18+s4+$0x0], $0xffff  }
0x28e: {  	v9 =	vor.u32 v54, v42;
	v13 =	vor.u32 v8, v49;
	v10 =	vld.idx.msk [tilespmem:v10+s4+$0x0], $0xffff;
	[tilespmem:v4+s20+$0x0] =	vst.idx.msk $0xffff, v15  }
0x28f: {  	v54 =	vor.u32 s29, v53;
	v12 =	vor.u32 v12, v36;
	[tilespmem:v6+s20+$0x0] =	vst.idx.msk $0xffff, v14;
	v6 =	vld.idx.msk [tilespmem:v16+s4+$0x0], $0xffff  }
0x290: {  	v8 =	vor.u32 v8, v28;
	v2 =	vor.u32 v63, v38;
	v4 =	vand.u32 $0x7F, v54;
	v11 =	vld.idx.msk [tilespmem:v11+s4+$0x0], $0xffff  }
0x291: {  	v14 =	vor.u32 v4, v39;
	[tilespmem:v0+s20+$0x0] =	vst.idx.msk $0xffff, v17;
	v0 =	vld.idx.msk [tilespmem:v7+s4+$0x0], $0xffff;
	v7 =	vor.u32 v20, v51  }
0x292: {  	v19 =	vor.u32 v63, v37  }
0x293: {  	v15 =	vor.u32 s31, v20;
	[tilespmem:v13+s20+$0x0] =	vst.idx.msk $0xffff, v10  }
0x294: {  	v1 =	vand.u32 $0x7F, v1;
	v16 =	vor.u32 v20, v45;
	v15 =	vand.u32 $0x7F, v15;
	[tilespmem:v12+s20+$0x0] =	vst.idx.msk $0xffff, v18  }
0x295: {  	v10 =	vor.u32 v1, v35;
	v17 =	vor.u32 v53, v40;
	v2 =	vld.idx.msk [tilespmem:v2+s4+$0x0], $0xffff;
	[tilespmem:v8+s20+$0x0] =	vst.idx.msk $0xffff, v6  }
0x296: {  	v13 =	vor.u32 v55, v41;
	v12 =	vor.u32 v15, v49;
	[tilespmem:v14+s20+$0x0] =	vst.idx.msk $0xffff, v11;
	v7 =	vld.idx.msk [tilespmem:v7+s4+$0x0], $0xffff  }
0x297: {  	v54 =	vor.u32 v53, v51;
	[tilespmem:v9+s20+$0x0] =	vst.idx.msk $0xffff, v0;
	v0 =	vor.u32 v1, v36;
	v1 =	vld.idx.msk [tilespmem:v19+s4+$0x0], $0xffff  }
0x298: {  	v18 =	vld [tilespmem:$0x1FED0]  }
0x299: {  	v11 =	vld.idx.msk [tilespmem:v16+s4+$0x0], $0xffff  }
0x29a: {  	v4 =	vor.u32 v4, v42;
	v6 =	vld.idx.msk [tilespmem:v17+s4+$0x0], $0xffff;
	[tilespmem:v10+s20+$0x0] =	vst.idx.msk $0xffff, v2  }
0x29b: {  	v14 =	vor.u32 v15, v28;
	v15 =	vor.u32 s31, v53;
	v13 =	vld.idx.msk [tilespmem:v13+s4+$0x0], $0xffff;
	v10 =	vand.u32 $0x7F, v62;
	[tilespmem:v12+s20+$0x0] =	vst.idx.msk $0xffff, v7  }
0x29c: {  	v15 =	vand.u32 $0x7F, v15;
	v7 =	vor.u32 v10, v39;
	[tilespmem:v0+s20+$0x0] =	vst.idx.msk $0xffff, v1;
	v0 =	vld.idx.msk [tilespmem:v54+s4+$0x0], $0xffff  }
0x29d: {  	v1 =	vor.u32 v15, v49;
	v8 =	vor.u32 v18, v38;
	v54 =	vld [tilespmem:$0x1FC70];
	_ =	sdelay $0x1  }
0x29e: {  	[tilespmem:v4+s20+$0x0] =	vst.idx.msk $0xffff, v6  }
0x29f: {  	[tilespmem:v14+s20+$0x0] =	vst.idx.msk $0xffff, v11  }
0x2a0: {  	v12 =	vor.u32 v53, v45;
	v19 =	vld [tilespmem:$0x1FEE0];
	[tilespmem:v7+s20+$0x0] =	vst.idx.msk $0xffff, v13  }
0x2a1: {  	v9 =	vand.u32 $0x7F, v54;
	v6 =	vld.idx.msk [tilespmem:v8+s4+$0x0], $0xffff;
	[tilespmem:v1+s20+$0x0] =	vst.idx.msk $0xffff, v0  }
0x2a2: {  	v2 =	vor.u32 v55, v40;
	v4 =	vor.u32 v9, v35;
	v1 =	vld [tilespmem:$0x1FD20];
	_ =	sdelay $0x1  }
0x2a3: {  	v11 =	vor.u32 v18, v37  }
0x2a4: {  	v54 =	vld.idx.msk [tilespmem:v12+s4+$0x0], $0xffff;
	v12 =	vor.u32 v15, v28  }
0x2a5: {  	v5 =	vand.u32 $0x7F, v5;
	v62 =	vor.u32 v55, v51  }
0x2a6: {  	v10 =	vor.u32 v10, v42;
	v2 =	vld.idx.msk [tilespmem:v2+s4+$0x0], $0xffff;
	v15 =	vor.u32 v55, v45;
	[tilespmem:v4+s20+$0x0] =	vst.idx.msk $0xffff, v6  }
0x2a7: {  	v16 =	vor.u32 v5, v39;
	v0 =	vor.u32 v25, v40;
	v17 =	vld [tilespmem:$0x1FC80]  }
0x2a8: {  	v13 =	vor.u32 s31, v55;
	v11 =	vld.idx.msk [tilespmem:v11+s4+$0x0], $0xffff;
	v14 =	vor.u32 v19, v38;
	v9 =	vor.u32 v9, v36  }
0x2a9: {  	v13 =	vand.u32 $0x7F, v13;
	[tilespmem:v12+s20+$0x0] =	vst.idx.msk $0xffff, v54;
	v12 =	vor.u32 v19, v37;
	v1 =	vld.idx.msk [tilespmem:v1+s4+$0x0], $0xffff  }
0x2aa: {  	v4 =	vor.u32 v23, v41;
	v6 =	vld.idx.msk [tilespmem:v62+s4+$0x0], $0xffff;
	v62 =	vor.u32 v13, v49  }
0x2ab: {  	v13 =	vor.u32 v13, v28;
	[tilespmem:v10+s20+$0x0] =	vst.idx.msk $0xffff, v2;
	v2 =	vor.u32 v25, v51;
	v15 =	vld.idx.msk [tilespmem:v15+s4+$0x0], $0xffff  }
0x2ac: {  	v5 =	vor.u32 v5, v42;
	v7 =	vor.u32 v25, v45;
	v0 =	vld.idx.msk [tilespmem:v0+s4+$0x0], $0xffff;
	v17 =	vand.u32 $0x7F, v17  }
0x2ad: {  	v14 =	vld.idx.msk [tilespmem:v14+s4+$0x0], $0xffff;
	[tilespmem:v9+s20+$0x0] =	vst.idx.msk $0xffff, v11;
	v10 =	vor.u32 v17, v35  }
0x2ae: {  	v54 =	vor.u32 s31, v25;
	v11 =	vld.idx.msk [tilespmem:v12+s4+$0x0], $0xffff;
	v12 =	vor.u32 v17, v36;
	[tilespmem:v16+s20+$0x0] =	vst.idx.msk $0xffff, v1;
	v16 =	vand.u32 $0x7F, v48  }
0x2af: {  	[tilespmem:v62+s20+$0x0] =	vst.idx.msk $0xffff, v6;
	v1 =	vand.u32 $0x7F, v54;
	v4 =	vld.idx.msk [tilespmem:v4+s4+$0x0], $0xffff;
	v62 =	vor.u32 v16, v39  }
0x2b0: {  	v2 =	vld.idx.msk [tilespmem:v2+s4+$0x0], $0xffff;
	[tilespmem:v13+s20+$0x0] =	vst.idx.msk $0xffff, v15;
	v54 =	vor.u32 v1, v49  }
0x2b1: {  	[tilespmem:v5+s20+$0x0] =	vst.idx.msk $0xffff, v0;
	v0 =	vld.idx.msk [tilespmem:v7+s4+$0x0], $0xffff;
	v1 =	vor.u32 v1, v28  }
0x2b2: {  	[tilespmem:v10+s20+$0x0] =	vst.idx.msk $0xffff, v14  }
0x2b3: {  	v8 =	vor.u32 v23, v40;
	v48 =	vld [tilespmem:$0x1FF40];
	[tilespmem:v12+s20+$0x0] =	vst.idx.msk $0xffff, v11  }
0x2b4: {  	v10 =	vor.u32 v21, v41;
	[tilespmem:v62+s20+$0x0] =	vst.idx.msk $0xffff, v4  }
0x2b5: {  	v13 =	vor.u32 v23, v51;
	[tilespmem:v54+s20+$0x0] =	vst.idx.msk $0xffff, v2  }
0x2b6: {  	[tilespmem:v1+s20+$0x0] =	vst.idx.msk $0xffff, v0  }
0x2b7: {  	v3 =	vand.u32 $0x7F, v3;
	v4 =	vor.u32 v23, v45;
	v1 =	vld [tilespmem:$0x1FCF0]  }
0x2b8: {  	v7 =	vld.idx.msk [tilespmem:v8+s4+$0x0], $0xffff;
	v8 =	vor.u32 v16, v42;
	v62 =	vor.u32 s31, v23;
	v5 =	vor.u32 v48, v38  }
0x2b9: {  	v54 =	vor.u32 v3, v39;
	v6 =	vand.u32 $0x7F, v62;
	v10 =	vld.idx.msk [tilespmem:v10+s4+$0x0], $0xffff  }
0x2ba: {  	v9 =	vor.u32 v21, v40;
	v62 =	vld.idx.msk [tilespmem:v13+s4+$0x0], $0xffff;
	v12 =	vor.u32 v6, v49  }
0x2bb: {  	v0 =	vor.u32 v21, v51  }
0x2bc: {  	v13 =	vor.u32 v63, v41;
	v6 =	vor.u32 v6, v28;
	v4 =	vld.idx.msk [tilespmem:v4+s4+$0x0], $0xffff;
	v1 =	vand.u32 $0x7F, v1  }
0x2bd: {  	[tilespmem:v8+s20+$0x0] =	vst.idx.msk $0xffff, v7;
	v8 =	vor.u32 v21, v45;
	v7 =	vor.u32 v1, v35;
	v5 =	vld.idx.msk [tilespmem:v5+s4+$0x0], $0xffff  }
0x2be: {  	[tilespmem:v54+s20+$0x0] =	vst.idx.msk $0xffff, v10;
	v54 =	vor.u32 s31, v21  }
0x2bf: {  	v3 =	vor.u32 v3, v42;
	v9 =	vld.idx.msk [tilespmem:v9+s4+$0x0], $0xffff;
	[tilespmem:v12+s20+$0x0] =	vst.idx.msk $0xffff, v62;
	v2 =	vand.u32 $0x7F, v54  }
0x2c0: {  	v62 =	vor.u32 v48, v37;
	v12 =	vand.u32 $0x7F, v47;
	v0 =	vld.idx.msk [tilespmem:v0+s4+$0x0], $0xffff;
	v14 =	vor.u32 v2, v49  }
0x2c1: {  	v10 =	vor.u32 v63, v40;
	v47 =	vld.idx.msk [tilespmem:v13+s4+$0x0], $0xffff;
	[tilespmem:v6+s20+$0x0] =	vst.idx.msk $0xffff, v4;
	v4 =	vor.u32 v12, v39  }
0x2c2: {  	v13 =	vor.u32 v63, v51;
	v2 =	vor.u32 v2, v28;
	[tilespmem:v7+s20+$0x0] =	vst.idx.msk $0xffff, v5;
	v5 =	vld.idx.msk [tilespmem:v8+s4+$0x0], $0xffff;
	_ =	sdelay $0x1  }
0x2c3: {  	[tilespmem:v3+s20+$0x0] =	vst.idx.msk $0xffff, v9;
	v3 =	vor.u32 v63, v45  }
0x2c4: {  	v11 =	vld.idx.msk [tilespmem:v62+s4+$0x0], $0xffff;
	[tilespmem:v14+s20+$0x0] =	vst.idx.msk $0xffff, v0  }
0x2c5: {  	v9 =	vor.u32 v12, v42;
	v54 =	vor.u32 s31, v63;
	v10 =	vld.idx.msk [tilespmem:v10+s4+$0x0], $0xffff;
	[tilespmem:v4+s20+$0x0] =	vst.idx.msk $0xffff, v47  }
0x2c6: {  	v1 =	vor.u32 v1, v36;
	v7 =	vand.u32 $0x7F, v54;
	v47 =	vld.idx.msk [tilespmem:v13+s4+$0x0], $0xffff;
	[tilespmem:v2+s20+$0x0] =	vst.idx.msk $0xffff, v5  }
0x2c7: {  	v8 =	vor.u32 v18, v41;
	v4 =	vor.u32 v7, v49;
	v54 =	vld [tilespmem:$0x1FF60]  }
0x2c8: {  	v62 =	vor.u32 v18, v40;
	v7 =	vor.u32 v7, v28;
	v3 =	vld.idx.msk [tilespmem:v3+s4+$0x0], $0xffff;
	_ =	sdelay $0x1  }
0x2c9: {  	v2 =	vor.u32 v18, v51;
	[tilespmem:v9+s20+$0x0] =	vst.idx.msk $0xffff, v10  }
0x2ca: {  	[tilespmem:v1+s20+$0x0] =	vst.idx.msk $0xffff, v11  }
0x2cb: {  	v12 =	vor.u32 s31, v18;
	v13 =	vand.u32 $0x7F, v61;
	v8 =	vld.idx.msk [tilespmem:v8+s4+$0x0], $0xffff;
	[tilespmem:v4+s20+$0x0] =	vst.idx.msk $0xffff, v47;
	v5 =	vor.u32 v54, v37  }
0x2cc: {  	v14 =	vor.u32 v13, v39;
	v9 =	vor.u32 v18, v45;
	v0 =	vld.idx.msk [tilespmem:v62+s4+$0x0], $0xffff;
	[tilespmem:v7+s20+$0x0] =	vst.idx.msk $0xffff, v3  }
0x2cd: {  	v12 =	vand.u32 $0x7F, v12;
	v61 =	vor.u32 v13, v42;
	v1 =	vor.u32 v19, v41;
	v15 =	vld [tilespmem:$0x1FD30]  }
0x2ce: {  	v13 =	vor.u32 v19, v40;
	v47 =	vor.u32 v12, v49;
	v2 =	vld.idx.msk [tilespmem:v2+s4+$0x0], $0xffff;
	v62 =	vor.u32 s28, v54  }
0x2cf: {  	v6 =	vand.u32 $0x7F, v62  }
0x2d0: {  	v7 =	vor.u32 v19, v51;
	v3 =	vor.u32 v6, v36;
	v5 =	vld.idx.msk [tilespmem:v5+s4+$0x0], $0xffff  }
0x2d1: {  	[tilespmem:v14+s20+$0x0] =	vst.idx.msk $0xffff, v8;
	v62 =	vor.u32 v12, v28;
	v9 =	vld.idx.msk [tilespmem:v9+s4+$0x0], $0xffff  }
0x2d2: {  	v4 =	vor.u32 v54, v38;
	[tilespmem:v61+s20+$0x0] =	vst.idx.msk $0xffff, v0;
	v1 =	vld.idx.msk [tilespmem:v1+s4+$0x0], $0xffff;
	v15 =	vand.u32 $0x7F, v15  }
0x2d3: {  	v61 =	vor.u32 s31, v19;
	v13 =	vld.idx.msk [tilespmem:v13+s4+$0x0], $0xffff;
	[tilespmem:v47+s20+$0x0] =	vst.idx.msk $0xffff, v2;
	v12 =	vor.u32 v15, v39  }
0x2d4: {  	v0 =	vor.u32 v19, v45;
	v10 =	vand.u32 $0x7F, v61;
	v47 =	vld [tilespmem:$0x1FF30];
	v15 =	vor.u32 v15, v42  }
0x2d5: {  	[tilespmem:v3+s20+$0x0] =	vst.idx.msk $0xffff, v5;
	v5 =	vld.idx.msk [tilespmem:v7+s4+$0x0], $0xffff;
	v7 =	vor.u32 v10, v49  }
0x2d6: {  	[tilespmem:v62+s20+$0x0] =	vst.idx.msk $0xffff, v9  }
0x2d7: {  	v16 =	vld [tilespmem:$0x1FDE0]  }
0x2d8: {  	v14 =	vor.u32 v48, v41;
	v4 =	vld.idx.msk [tilespmem:v4+s4+$0x0], $0xffff;
	[tilespmem:v12+s20+$0x0] =	vst.idx.msk $0xffff, v1  }
0x2d9: {  	v11 =	vor.u32 v48, v40;
	v0 =	vld.idx.msk [tilespmem:v0+s4+$0x0], $0xffff;
	[tilespmem:v15+s20+$0x0] =	vst.idx.msk $0xffff, v13  }
0x2da: {  	v6 =	vor.u32 v6, v35;
	v17 =	vld [tilespmem:$0x1FEC0];
	[tilespmem:v7+s20+$0x0] =	vst.idx.msk $0xffff, v5  }
0x2db: {  	v8 =	vor.u32 v48, v51;
	v62 =	vor.u32 v10, v28;
	v5 =	vld [tilespmem:$0x1FD00]  }
0x2dc: {  	v3 =	vor.u32 v47, v37;
	v16 =	vand.u32 $0x7F, v16  }
0x2dd: {  	v9 =	vor.u32 s31, v48;
	v13 =	vor.u32 v48, v45;
	v12 =	vld.idx.msk [tilespmem:v14+s4+$0x0], $0xffff;
	v61 =	vor.u32 v16, v39  }
0x2de: {  	v2 =	vor.u32 v47, v38;
	v15 =	vor.u32 v54, v41;
	v11 =	vld.idx.msk [tilespmem:v11+s4+$0x0], $0xffff;
	v16 =	vor.u32 v16, v42  }
0x2df: {  	v9 =	vand.u32 $0x7F, v9;
	v1 =	vor.u32 v54, v51;
	v7 =	vor.u32 v54, v40;
	[tilespmem:v6+s20+$0x0] =	vst.idx.msk $0xffff, v4  }
0x2e0: {  	v6 =	vor.u32 v9, v49;
	v8 =	vld.idx.msk [tilespmem:v8+s4+$0x0], $0xffff;
	[tilespmem:v62+s20+$0x0] =	vst.idx.msk $0xffff, v0;
	v62 =	vor.u32 s29, v54;
	v5 =	vand.u32 $0x7F, v5  }
0x2e1: {  	v3 =	vld.idx.msk [tilespmem:v3+s4+$0x0], $0xffff;
	v9 =	vor.u32 v9, v28;
	v4 =	vor.u32 v5, v35;
	v5 =	vor.u32 v5, v36  }
0x2e2: {  	v0 =	vand.u32 $0x7F, v62;
	v10 =	vld.idx.msk [tilespmem:v13+s4+$0x0], $0xffff;
	v14 =	vor.u32 v17, v37;
	[tilespmem:v61+s20+$0x0] =	vst.idx.msk $0xffff, v12  }
0x2e3: {  	v12 =	vor.u32 v0, v39;
	[tilespmem:v16+s20+$0x0] =	vst.idx.msk $0xffff, v11;
	v61 =	vor.u32 v54, v45;
	v13 =	vld.idx.msk [tilespmem:v15+s4+$0x0], $0xffff  }
0x2e4: {  	v0 =	vor.u32 v0, v42;
	v16 =	vor.u32 s31, v54;
	v15 =	vor.u32 v47, v41;
	v7 =	vld.idx.msk [tilespmem:v7+s4+$0x0], $0xffff  }
0x2e5: {  	v2 =	vld.idx.msk [tilespmem:v2+s4+$0x0], $0xffff;
	v62 =	vor.u32 s28, v17;
	[tilespmem:v6+s20+$0x0] =	vst.idx.msk $0xffff, v8;
	v54 =	vor.u32 v47, v40;
	v16 =	vand.u32 $0x7F, v16  }
0x2e6: {  	v1 =	vld.idx.msk [tilespmem:v1+s4+$0x0], $0xffff;
	[tilespmem:v5+s20+$0x0] =	vst.idx.msk $0xffff, v3;
	v3 =	vand.u32 $0x7F, v62;
	v5 =	vor.u32 v16, v49  }
0x2e7: {  	[tilespmem:v9+s20+$0x0] =	vst.idx.msk $0xffff, v10;
	v6 =	vld.idx.msk [tilespmem:v14+s4+$0x0], $0xffff;
	v9 =	vor.u32 v3, v36  }
0x2e8: {  	v11 =	vld.idx.msk [tilespmem:v61+s4+$0x0], $0xffff;
	[tilespmem:v12+s20+$0x0] =	vst.idx.msk $0xffff, v13;
	v12 =	vand.u32 $0x7F, v58;
	v13 =	vor.u32 v16, v28  }
0x2e9: {  	[tilespmem:v0+s20+$0x0] =	vst.idx.msk $0xffff, v7;
	v0 =	vor.u32 v12, v39;
	v7 =	vld.idx.msk [tilespmem:v15+s4+$0x0], $0xffff  }
0x2ea: {  	v10 =	vor.u32 v47, v51;
	[tilespmem:v4+s20+$0x0] =	vst.idx.msk $0xffff, v2;
	v62 =	vld.idx.msk [tilespmem:v54+s4+$0x0], $0xffff;
	v54 =	vor.u32 v12, v42  }
0x2eb: {  	[tilespmem:v5+s20+$0x0] =	vst.idx.msk $0xffff, v1  }
0x2ec: {  	[tilespmem:v9+s20+$0x0] =	vst.idx.msk $0xffff, v6  }
0x2ed: {  	v14 =	vor.u32 v47, v45;
	[tilespmem:v13+s20+$0x0] =	vst.idx.msk $0xffff, v11  }
0x2ee: {  	v61 =	vor.u32 s31, v47;
	v1 =	vor.u32 v17, v38;
	[tilespmem:v0+s20+$0x0] =	vst.idx.msk $0xffff, v7  }
0x2ef: {  	v2 =	vand.u32 $0x7F, v61;
	v5 =	vor.u32 v17, v40;
	v58 =	vld.idx.msk [tilespmem:v10+s4+$0x0], $0xffff;
	[tilespmem:v54+s20+$0x0] =	vst.idx.msk $0xffff, v62  }
0x2f0: {  	v61 =	vor.u32 v2, v49;
	v15 =	vld [tilespmem:$0x1FF90]  }
0x2f1: {  	v10 =	vor.u32 v17, v41  }
0x2f2: {  	v2 =	vor.u32 v2, v28;
	v0 =	vor.u32 v17, v51;
	v7 =	vld.idx.msk [tilespmem:v14+s4+$0x0], $0xffff  }
0x2f3: {  	v3 =	vor.u32 v3, v35;
	v38 =	vor.u32 v17, v45;
	v62 =	vor.u32 s29, v17;
	v1 =	vld.idx.msk [tilespmem:v1+s4+$0x0], $0xffff  }
0x2f4: {  	v13 =	vand.u32 $0x7F, v57;
	v4 =	vand.u32 $0x7F, v62;
	v5 =	vld.idx.msk [tilespmem:v5+s4+$0x0], $0xffff  }
0x2f5: {  	[tilespmem:v61+s20+$0x0] =	vst.idx.msk $0xffff, v58;
	v58 =	vor.u32 v4, v42;
	v61 =	vor.u32 s31, v17;
	v54 =	vor.u32 v15, v37  }
0x2f6: {  	v4 =	vor.u32 v4, v39;
	v10 =	vld.idx.msk [tilespmem:v10+s4+$0x0], $0xffff;
	v9 =	vand.u32 $0x7F, v61;
	v12 =	vor.u32 v15, v40  }
0x2f7: {  	[tilespmem:v2+s20+$0x0] =	vst.idx.msk $0xffff, v7;
	v0 =	vld.idx.msk [tilespmem:v0+s4+$0x0], $0xffff;
	v62 =	vor.u32 v15, v41;
	v37 =	vor.u32 v9, v49  }
0x2f8: {  	v14 =	vor.u32 v15, v51;
	v9 =	vor.u32 v9, v28;
	v8 =	vld.idx.msk [tilespmem:v38+s4+$0x0], $0xffff;
	[tilespmem:v3+s20+$0x0] =	vst.idx.msk $0xffff, v1  }
0x2f9: {  	v41 =	vor.u32 v15, v45;
	v45 =	vor.u32 v13, v35;
	v46 =	vld.idx.msk [tilespmem:v46+s4+$0x0], $0xffff  }
0x2fa: {  	v38 =	vor.u32 v13, v36;
	v13 =	vand.u32 $0x7F, v60;
	[tilespmem:v58+s20+$0x0] =	vst.idx.msk $0xffff, v5;
	v40 =	vld.idx.msk [tilespmem:v54+s4+$0x0], $0xffff  }
0x2fb: {  	v51 =	vor.u32 s31, v15;
	[tilespmem:v4+s20+$0x0] =	vst.idx.msk $0xffff, v10;
	v54 =	vor.u32 v13, v42;
	v12 =	vld.idx.msk [tilespmem:v12+s4+$0x0], $0xffff  }
0x2fc: {  	v57 =	vor.u32 v13, v39;
	v4 =	vand.u32 $0x7F, v51;
	[tilespmem:v37+s20+$0x0] =	vst.idx.msk $0xffff, v0;
	v2 =	vld.idx.msk [tilespmem:v62+s4+$0x0], $0xffff  }
0x2fd: {  	v58 =	vor.u32 v4, v49;
	[tilespmem:v9+s20+$0x0] =	vst.idx.msk $0xffff, v8;
	v60 =	vld.idx.msk [tilespmem:v14+s4+$0x0], $0xffff  }
0x2fe: {  	v61 =	vor.u32 v4, v28;
	v62 =	vld.idx.msk [tilespmem:v41+s4+$0x0], $0xffff;
	[tilespmem:v45+s20+$0x0] =	vst.idx.msk $0xffff, v46  }
0x2ff: {  	s0 =	smul.u32 $0xA0000, s23;
	[tilespmem:v38+s20+$0x0] =	vst.idx.msk $0xffff, v40  }
0x300: {  	[tilespmem:v54+s20+$0x0] =	vst.idx.msk $0xffff, v12  }
0x301: {  	s2 =	sand.u32 $0x1, s23;
	s0 =	sadd.s32 s10, s0;
	[tilespmem:v57+s20+$0x0] =	vst.idx.msk $0xffff, v2  }
0x302: {  	p0 =	seq.s32 s2, $0x1;
	s0 =	sshrl.u32 s0, $0x3;
	[tilespmem:v58+s20+$0x0] =	vst.idx.msk $0xffff, v60  }
0x303: {  	s2 =	simm.s32 @p0 $0x0;
	s0 =	sadd.s32 s3, s0;
	s28 =	simm.s32 @p0 $0xFD00;
	[tilespmem:v61+s20+$0x0] =	vst.idx.msk $0xffff, v62  }
0x304: {  	[hbm4b:s0+s2] =	stream.linear.scatter @p0 [tilespmem:s28], [sflag:$0x4], $0x5000, $0x38;
	[tilespmem:$0x14D00] =	vst v63  }
0x305: {  	s2 =	simm.s32 @!p0 $0x0;
	s28 =	simm.s32 @!p0 $0xAD00  }
0x306: {  	[hbm4b:s0+s2] =	stream.linear.scatter @!p0 [tilespmem:s28], [sflag:$0x3], $0x5000, $0x38;
	[tilespmem:$0x14D00] =	vst v63  }
0x307: {  	p0 =	sne.s32 s26, $0x7  }
.Ltmp10:
0x308: {  	_ = 	snop;
	(pc) =	sbr.rel @p0 .LBB2_17-.Ltmp10, $4  }
0x309: {  	v40 =	vld [tilespmem:$0x1FFE0]  }
0x30a: {  	v35 =	vld [tilespmem:$0x1FFF0]  }
0x30b: {  	v28 =	vld [tilespmem:$0x1FFD0]  }
0x30c: {  	v26 =	vmov v56;
	v42 =	vmov v63;
	v45 =	vmov v25;
	v39 =	vld [tilespmem:$0x1FFC0]  }
0x30d: {  	p1 =	seq.s32 s25, $0x1  }
.Ltmp11:
0x30e: {  	_ = 	snop;
	(pc) =	sbr.rel @p1 .LBB2_16-.Ltmp11, $2  }
0x30f: {  	_ =	sdelay $0x2  }
0x310: {  	p0 =	sgt.u32 s23, $0x1F  }
0x311: {  	s0 =	sadd.s32 $0x2, s24  }
0x312: {  	s2 =	sshll.u32 @!p0 s0, $0xD  }
0x313: {  	s2 =	sor.u32 @!p0 s5, s2  }
0x314: {  	s24 =	simm.s32 @!p0 $0x400;
	s2 =	sshrl.u32 @!p0 s2, $0x3  }
0x315: {  	s25 =	simm.s32 @!p0 $0xE000;
	s26 =	simm.s32 @!p0 $0xD00;
	s2 =	sadd.s32 @!p0 s1, s2  }
0x316: {  	[tilespmem:s26], [sflag:$0x1] =	stream.strided.gather @!p0 [hbm4b:s2+s24], $0x5000, s25, s24, $0x38;
	[tilespmem:$0x14D00] =	vst v63  }
0x317: {  	p0 =	sne.s32 s0, $0x6  }
.Ltmp12:
0x318: {  	_ = 	snop;
	(pc) =	sbr.rel @p0 .LBB2_17-.Ltmp12, $1  }
0x319: {  	_ =	sdelay $0x3  }
0x31a: {  	s0 =	simm.s32 $0xD00;
	s2 =	simm.s32 $0x1000;
	s24 =	smov.u32 s11  }
0x31b: {  	[tilespmem:s0], [sflag:$0x1] =	stream.linear.gather [hbm4b:s11+s4], $0x100, $0x38;
	[tilespmem:$0x14D00] =	vst v63  }
.LBB2_15:
0x31c: {  	p0 =	seq.s32 s2, $0x13000  }
.Ltmp13:
0x31d: {  	_ = 	snop;
	(pc) =	sbr.rel @!p0 .LBB2_15-.Ltmp13, $4  }
0x31e: {  	_ = 	snop  }
0x31f: {  	s0 =	sshra.s32 s2, $0x2;
	s2 =	sadd.s32 $0x1000, s2  }
0x320: {  	s24 =	sadd.s32 $0x1C00, s24;
	s0 =	sadd.s32 $0xD00, s0  }
0x321: {  	[tilespmem:s0], [sflag:$0x1] =	stream.linear.gather [hbm4b:s24+s4], $0x100, $0x38;
	[tilespmem:$0x14D00] =	vst v63  }
.Ltmp14:
0x322: {  	_ = 	snop;
	(pc) =	sbr.rel .LBB2_17-.Ltmp14, $1  }
0x323: {  	_ =	sdelay $0x3  }
.LBB2_19:
0x324: {  	_ =	sfence.sel $0x180000  }
0x325: {  	[bflag:$0x0] =	sbarrier.arrive $0xFFFF  }
0x326: {  	_ =	strace $0x90000047  }
0x327: {  	s0 =	stileid.u32;
	[bflag:$0x2] =	sbarrier.arrive $0xFFFF  }
0x328: {  	p0 =	sne.s32 s0, $0x0;
	s0 =	rddreg [dreg:$0x3]  }
0x329: {  	s0 =	sadd.s32 @!p0 $0x100000, s0  }
0x32a: {  	[sflag:s0] =	ssyncadd.tile.s32 @!p0 $0x1;
	_ =	shalt  }
.Lfunc_end2:
_tile_overlayer_lowered:
.L_overlay_start_2:
0x32b: {  	(tag) =	ssettag $0x2  }
0x32c: {  	s0 =	rddreg [dreg:$0x0];
	s2 =	stileid.u32  }
0x32d: {  	s1 =	rddreg [dreg:$0x1];
	p0 =	sne.s32 s2, $0x0  }
0x32e: {  	s3 =	rddreg [dreg:$0x2];
	[bflag:$0x3] =	sbarrier.arrive $0xFFFF;
	s2 =	simm.s32 @!p0 $0x1C05  }
0x32f: {  	[timem:s3], [sflag:s2] =	dma.local @!p0 [hbm:s0], s1  }
0x330: {  	s0 =	simm.s32 @!p0 $0x5  }
0x331: {  	_ =	swait.ge @!p0 [sflag:s0], s1  }
0x332: {  	s1 =	ssub.s32 @!p0 $0x0, s1;
	[sflag:s0] =	ssyncset.done @!p0 $0x0  }
0x333: {  	[sflag:s0] =	ssyncadd.s32 @!p0 s1  }
0x334: {  	[bflag:$0x3] =	sbarrier.arrive $0xFFFF  }
0x335: {  	_ =	shalt  }

</sc_bundles>
